<compile_context>
chip_gen: v7x
topology: tpu7x:2x2x1
jax: 0.10.2.dev20260603
libtpu: 0.0.44.dev20260713+nightly
codegen_flags: <defaults>
</compile_context>

<pallas_src>
import functools

import jax
import jax.numpy as jnp
from jax import lax
from jax.experimental import pallas as pl
from jax.experimental.pallas import tpu as pltpu
from jax.experimental.pallas import tpu_sc as plsc

_B, _S = 4, 8192
_NEWLINE = 7
_MAX_ROWS, _MAX_COLS = 100, 200
_D_HALF = 512
_NTOK = _B * _S
_NROWS = 2 * _NTOK
_NC, _NS = 2, 16
_NW = _NC * _NS
_PER_W = _NROWS // _NW
_CHUNK = 32
_NCHUNK = _PER_W // _CHUNK
_NBUF = 4
_DIST = 2
_TROWS = 384
_TPT = _TROWS // _NS


def _pos_body(tok_ref, rows_ref, cols_ref):
    tok = tok_ref[...]
    is_nl = jnp.where(tok == _NEWLINE, 1, 0).astype(jnp.int32)
    pos = lax.broadcasted_iota(jnp.int32, (_B, _S), 1)
    nl_pos = jnp.where(is_nl == 1, pos, -1)

    def shift_right(x, d, fill):
        rolled = pltpu.roll(x, d, axis=1)
        return jnp.where(pos >= d, rolled, fill)

    r = shift_right(is_nl, 1, 0)
    c = shift_right(nl_pos, 1, -1)
    d = 1
    while d < _S:
        r = r + shift_right(r, d, 0)
        c = jnp.maximum(c, shift_right(c, d, -1))
        d *= 2
    rows = jnp.minimum(r, _MAX_ROWS - 1)
    cols = jnp.clip(pos - c - 1, 0, _MAX_COLS - 1) + _MAX_ROWS
    bidx = lax.broadcasted_iota(jnp.int32, (_B, _S), 0)
    repl = ((bidx * _S + pos) >> 10) * _TROWS
    rows_ref[...] = rows + repl
    cols_ref[...] = cols + repl


_positions = pl.pallas_call(
    _pos_body,
    out_shape=(jax.ShapeDtypeStruct((_B, _S), jnp.int32),
               jax.ShapeDtypeStruct((_B, _S), jnp.int32)),
)


@functools.partial(
    pl.kernel,
    out_type=jax.ShapeDtypeStruct((_NROWS, _D_HALF), jnp.float32),
    mesh=plsc.VectorSubcoreMesh(core_axis_name="c", subcore_axis_name="s"),
    compiler_params=pltpu.CompilerParams(needs_layout_passes=False),
    scratch_types=[
        pltpu.VMEM((_PER_W,), jnp.int32),
        pltpu.VMEM((_PER_W,), jnp.int32),
        pltpu.VMEM((_NBUF, _CHUNK, _D_HALF), jnp.float32),
    ]
    + [pltpu.SemaphoreType.DMA] * (2 * _NBUF),
)
def _sc_gather(table_hbm, rows_hbm, cols_hbm, out_hbm, idx_rc, idx_v, bufs, *sems):
    gsem = sems[:_NBUF]
    osem = sems[_NBUF:]
    wid = lax.axis_index("s") * _NC + lax.axis_index("c")
    base = wid * _PER_W
    ntok = _PER_W // 2
    tbase = wid * ntok
    pltpu.sync_copy(rows_hbm.at[pl.ds(tbase, ntok)], idx_rc.at[pl.ds(0, ntok)])
    pltpu.sync_copy(cols_hbm.at[pl.ds(tbase, ntok)], idx_rc.at[pl.ds(ntok, ntok)])
    iota16 = lax.iota(jnp.int32, 16)

    @pl.loop(0, ntok // 16)
    def _mk(k):
        rv = idx_rc[pl.ds(k * 16, 16)]
        cv = idx_rc[pl.ds(ntok + k * 16, 16)]
        pos = k * 32 + 2 * iota16
        plsc.store_scatter(idx_v, [pos], rv)
        plsc.store_scatter(idx_v, [pos + 1], cv)

    def start_g(g, b):
        off = pl.multiple_of(g * _CHUNK, _CHUNK)
        pltpu.async_copy(
            table_hbm.at[idx_v.at[pl.ds(off, _CHUNK)]], bufs.at[b], gsem[b]
        )

    def wait_g(b):
        pltpu.make_async_copy(
            table_hbm.at[pl.ds(0, _CHUNK)], bufs.at[b], gsem[b]
        ).wait()

    def start_o(g, b):
        off = pl.multiple_of(g * _CHUNK, _CHUNK)
        pltpu.async_copy(bufs.at[b], out_hbm.at[pl.ds(base + off, _CHUNK)], osem[b])

    def wait_o(b):
        pltpu.make_async_copy(
            bufs.at[b], out_hbm.at[pl.ds(0, _CHUNK)], osem[b]
        ).wait()

    for j in range(_DIST):
        start_g(j, j)
    for b in range(_NBUF):
        wait_g(b)
        start_o(b, b)
        b2 = (b + _DIST) % _NBUF
        if b >= _DIST:
            wait_o(b2)
        start_g(b + _DIST, b2)

    @pl.loop(1, _NCHUNK // _NBUF - 1)
    def _steady(i):
        g0 = i * _NBUF
        for b in range(_NBUF):
            wait_g(b)
            start_o(g0 + b, b)
            b2 = (b + _DIST) % _NBUF
            wait_o(b2)
            start_g(g0 + b + _DIST, b2)

    gl = _NCHUNK - _NBUF
    for b in range(_NBUF):
        wait_g(b)
        start_o(gl + b, b)
        b2 = (b + _DIST) % _NBUF
        if b < _DIST:
            wait_o(b2)
            start_g(gl + b + _DIST, b2)
    for b in range(_NBUF):
        wait_o(b)


def kernel(token_ids, row_table, col_table):
    rows, cols = _positions(token_ids.astype(jnp.int32))
    pad = jnp.zeros((_TROWS - _MAX_ROWS - _MAX_COLS, _D_HALF), jnp.float32)
    table = jnp.concatenate([row_table, col_table, pad], axis=0)
    table_rep = jnp.tile(table, (_NW, 1))
    out2 = _sc_gather(table_rep, rows.reshape(_NTOK), cols.reshape(_NTOK))
    return out2.reshape(_B, _S, 2 * _D_HALF)

# --- scband reference (transcript-rebuilt; emitter-appended) ---
"""Pipeline reference for scband-positional-encoding2-dmodule-79199196938334 (READ-ONLY COPY).

The authoritative reference and input builder live on the scoring server;
editing this copy changes nothing except your own understanding.
"""

import jax, jax.numpy as jnp
import numpy as np

B, S = 4, 8192
D_MODEL = 1024
MAX_ROWS, MAX_COLS = 100, 200
NEWLINE_ID = 7
ROW_DIM = D_MODEL // 2
COL_DIM = D_MODEL - ROW_DIM


def setup_inputs(seed: int = 0) -> dict:
    key = jax.random.key(seed)
    k1, k2, k3 = jax.random.split(key, 3)
    token_ids = jax.random.randint(k1, (B, S), 0, 64)
    row_table = 0.02 * jax.random.normal(k2, (MAX_ROWS, ROW_DIM), dtype=jnp.float32)
    col_table = 0.02 * jax.random.normal(k3, (MAX_COLS, COL_DIM), dtype=jnp.float32)
    return {"token_ids": token_ids, "row_table": row_table, "col_table": col_table}


def _compute_2d_positions(token_ids):
    b, s = token_ids.shape
    is_nl = (token_ids == NEWLINE_ID).astype(jnp.int32)
    rows_unshifted = jnp.cumsum(is_nl, axis=1)
    rows = jnp.concatenate([jnp.zeros((b, 1), dtype=rows_unshifted.dtype), rows_unshifted[:, :-1]], axis=1)
    pos = jnp.broadcast_to(jnp.arange(s, dtype=jnp.int32)[None, :], (b, s))
    nl_pos = jnp.where(is_nl.astype(bool), pos, jnp.int32(-1))
    shifted = jnp.concatenate([jnp.full((b, 1), -1, dtype=jnp.int32), nl_pos[:, :-1]], axis=1)
    last_nl_before = jax.lax.cummax(shifted, axis=1)
    cols = pos - last_nl_before - 1
    return rows, cols


def reference(token_ids, row_table, col_table):
    rows, cols = _compute_2d_positions(token_ids)
    rows = jnp.clip(rows, 0, MAX_ROWS - 1)
    cols = jnp.clip(cols, 0, MAX_COLS - 1)
    row_emb = jnp.take(row_table, rows, axis=0)
    col_emb = jnp.take(col_table, cols, axis=0)
    return jnp.concatenate([row_emb, col_emb], axis=-1)

if __name__ == "__main__":
    import jax
    _d = setup_inputs()
    print(jax.jit(kernel)(*tuple(_d.values())))

</pallas_src>

<mosaic_0001>
#map = affine_map<(d0, d1) -> (0, 0)>
#map1 = affine_map<(d0, d1) -> (0)>
module attributes {stable_mosaic.version = 14 : i64} {
  func.func @_sc_gather(%arg0: i32, %arg1: i32, %arg2: memref<12288x512xf32, #tpu.memory_space<hbm>>, %arg3: memref<32768xi32, #tpu.memory_space<hbm>>, %arg4: memref<32768xi32, #tpu.memory_space<hbm>>, %arg5: memref<65536x512xf32, #tpu.memory_space<hbm>>, %arg6: memref<2048xi32, #tpu.memory_space<vmem>>, %arg7: memref<2048xi32, #tpu.memory_space<vmem>>, %arg8: memref<4x32x512xf32, #tpu.memory_space<vmem>>, %arg9: memref<!tpu.dma_semaphore, #tpu.memory_space<semaphore_mem>>, %arg10: memref<!tpu.dma_semaphore, #tpu.memory_space<semaphore_mem>>, %arg11: memref<!tpu.dma_semaphore, #tpu.memory_space<semaphore_mem>>, %arg12: memref<!tpu.dma_semaphore, #tpu.memory_space<semaphore_mem>>, %arg13: memref<!tpu.dma_semaphore, #tpu.memory_space<semaphore_mem>>, %arg14: memref<!tpu.dma_semaphore, #tpu.memory_space<semaphore_mem>>, %arg15: memref<!tpu.dma_semaphore, #tpu.memory_space<semaphore_mem>>, %arg16: memref<!tpu.dma_semaphore, #tpu.memory_space<semaphore_mem>>) attributes {dimension_semantics = [#tpu.dimension_semantics<core_parallel>, #tpu.dimension_semantics<subcore_parallel>], iteration_bounds = array<i64: 2, 16>, scalar_prefetch = 0 : i64, scratch_operands = 11 : i64, tpu.core_type = #tpu.core_type<sc_vector_subcore>, window_params = [{transform_indices = #map}, {transform_indices = #map1}, {transform_indices = #map1}, {transform_indices = #map}]} {
    %mul3A = arith.constant 2 : i32
    %mul3A_0 = arith.muli %arg1, %mul3A : i32
    %add3A = arith.addi %mul3A_0, %arg0 : i32
    %mul3A_1 = arith.constant 2048 : i32
    %mul3A_2 = arith.muli %add3A, %mul3A_1 : i32
    %mul3A_3 = arith.constant 1024 : i32
    %mul3A_4 = arith.muli %add3A, %mul3A_3 : i32
    "tpu.region"() ({
      %run_scoped3A = tpu.sem_alloc : memref<!tpu.dma_semaphore, #tpu.memory_space<semaphore_mem>>
      %dma_start3A_467 = arith.constant 0 : i32
      %dma_start3A_468 = tpu.memref_slice %arg6[%dma_start3A_467] : memref<2048xi32, #tpu.memory_space<vmem>> -> memref<1024xi32, #tpu.memory_space<vmem>>
      %dma_start3A_469 = tpu.memref_slice %arg3[%mul3A_4] : memref<32768xi32, #tpu.memory_space<hbm>> -> memref<1024xi32, #tpu.memory_space<hbm>>
      %dma_start3A_470 = arith.constant 0 : i32
      %dma_start3A_471 = tpu.memref_slice %arg6[%dma_start3A_470] : memref<2048xi32, #tpu.memory_space<vmem>> -> memref<1024xi32, #tpu.memory_space<vmem>>
      %dma_start3A_472 = tpu.memref_slice %arg3[%mul3A_4] : memref<32768xi32, #tpu.memory_space<hbm>> -> memref<1024xi32, #tpu.memory_space<hbm>>
      tpu.enqueue_dma source(%dma_start3A_472 : memref<1024xi32, #tpu.memory_space<hbm>>) target(%dma_start3A_471 : memref<1024xi32, #tpu.memory_space<vmem>>) target_semaphore(%run_scoped3A : memref<!tpu.dma_semaphore, #tpu.memory_space<semaphore_mem>>)
      %dma_wait3A_473 = arith.constant 0 : i32
      %dma_wait3A_474 = tpu.memref_slice %arg6[%dma_wait3A_473] : memref<2048xi32, #tpu.memory_space<vmem>> -> memref<1024xi32, #tpu.memory_space<vmem>>
      %dma_wait3A_475 = tpu.memref_slice %arg3[%mul3A_4] : memref<32768xi32, #tpu.memory_space<hbm>> -> memref<1024xi32, #tpu.memory_space<hbm>>
      %dma_wait3A_476 = arith.constant 0 : i32
      %dma_wait3A_477 = tpu.memref_slice %arg6[%dma_wait3A_476] : memref<2048xi32, #tpu.memory_space<vmem>> -> memref<1024xi32, #tpu.memory_space<vmem>>
      %dma_wait3A_478 = tpu.memref_slice %arg3[%mul3A_4] : memref<32768xi32, #tpu.memory_space<hbm>> -> memref<1024xi32, #tpu.memory_space<hbm>>
      tpu.wait_dma2 semaphore(%run_scoped3A : memref<!tpu.dma_semaphore, #tpu.memory_space<semaphore_mem>>) src(%dma_wait3A_478 : memref<1024xi32, #tpu.memory_space<hbm>>) dst(%dma_wait3A_477 : memref<1024xi32, #tpu.memory_space<vmem>>)
      tpu.yield
    }) : () -> ()
    "tpu.region"() ({
      %run_scoped3A = tpu.sem_alloc : memref<!tpu.dma_semaphore, #tpu.memory_space<semaphore_mem>>
      %dma_start3A_467 = arith.constant 1024 : i32
      %dma_start3A_468 = tpu.memref_slice %arg6[%dma_start3A_467] : memref<2048xi32, #tpu.memory_space<vmem>> -> memref<1024xi32, #tpu.memory_space<vmem>>
      %dma_start3A_469 = tpu.memref_slice %arg4[%mul3A_4] : memref<32768xi32, #tpu.memory_space<hbm>> -> memref<1024xi32, #tpu.memory_space<hbm>>
      %dma_start3A_470 = arith.constant 1024 : i32
      %dma_start3A_471 = tpu.memref_slice %arg6[%dma_start3A_470] : memref<2048xi32, #tpu.memory_space<vmem>> -> memref<1024xi32, #tpu.memory_space<vmem>>
      %dma_start3A_472 = tpu.memref_slice %arg4[%mul3A_4] : memref<32768xi32, #tpu.memory_space<hbm>> -> memref<1024xi32, #tpu.memory_space<hbm>>
      tpu.enqueue_dma source(%dma_start3A_472 : memref<1024xi32, #tpu.memory_space<hbm>>) target(%dma_start3A_471 : memref<1024xi32, #tpu.memory_space<vmem>>) target_semaphore(%run_scoped3A : memref<!tpu.dma_semaphore, #tpu.memory_space<semaphore_mem>>)
      %dma_wait3A_473 = arith.constant 1024 : i32
      %dma_wait3A_474 = tpu.memref_slice %arg6[%dma_wait3A_473] : memref<2048xi32, #tpu.memory_space<vmem>> -> memref<1024xi32, #tpu.memory_space<vmem>>
      %dma_wait3A_475 = tpu.memref_slice %arg4[%mul3A_4] : memref<32768xi32, #tpu.memory_space<hbm>> -> memref<1024xi32, #tpu.memory_space<hbm>>
      %dma_wait3A_476 = arith.constant 1024 : i32
      %dma_wait3A_477 = tpu.memref_slice %arg6[%dma_wait3A_476] : memref<2048xi32, #tpu.memory_space<vmem>> -> memref<1024xi32, #tpu.memory_space<vmem>>
      %dma_wait3A_478 = tpu.memref_slice %arg4[%mul3A_4] : memref<32768xi32, #tpu.memory_space<hbm>> -> memref<1024xi32, #tpu.memory_space<hbm>>
      tpu.wait_dma2 semaphore(%run_scoped3A : memref<!tpu.dma_semaphore, #tpu.memory_space<semaphore_mem>>) src(%dma_wait3A_478 : memref<1024xi32, #tpu.memory_space<hbm>>) dst(%dma_wait3A_477 : memref<1024xi32, #tpu.memory_space<vmem>>)
      tpu.yield
    }) : () -> ()
    %iota3A = tpu.iota {dimensions = array<i32: 0>} : vector<16xi32>
    %scan3A = arith.constant 0 : i32
    %scan3A_5 = arith.constant 64 : i32
    %scan3A_6 = arith.addi %scan3A, %scan3A_5 : i32
    %scan3A_7 = arith.constant 1 : i32
    scf.for %scan3A_467 = %scan3A to %scan3A_6 step %scan3A_7  : i32 {
      %mul3A_468 = arith.constant 1 : i32
      %mul3A_469 = arith.muli %scan3A_467, %mul3A_468 : i32
      %add3A_470 = arith.constant 0 : i32
      %add3A_471 = arith.addi %add3A_470, %mul3A_469 : i32
      %mul3A_472 = arith.constant 16 : i32
      %mul3A_473 = arith.muli %add3A_471, %mul3A_472 : i32
      %get3A = arith.index_cast %mul3A_473 : i32 to index
      %get3A_474 = tpu.vector_load %arg6[%get3A] {strides = array<i32>} : memref<2048xi32, #tpu.memory_space<vmem>>, vector<16xi32>,
      %mul3A_475 = arith.constant 16 : i32
      %mul3A_476 = arith.muli %add3A_471, %mul3A_475 : i32
      %add3A_477 = arith.constant 1024 : i32
      %add3A_478 = arith.addi %add3A_477, %mul3A_476 : i32
      %get3A_479 = arith.index_cast %add3A_478 : i32 to index
      %get3A_480 = tpu.vector_load %arg6[%get3A_479] {strides = array<i32>} : memref<2048xi32, #tpu.memory_space<vmem>>, vector<16xi32>,
      %mul3A_481 = arith.constant 32 : i32
      %mul3A_482 = arith.muli %add3A_471, %mul3A_481 : i32
      %mul3A_483 = arith.constant 2 : i32
      %mul3A_484 = vector.broadcast %mul3A_483 : i32 to vector<16xi32>
      %mul3A_485 = arith.muli %mul3A_484, %iota3A : vector<16xi32>
      %add3A_486 = vector.broadcast %mul3A_482 : i32 to vector<16xi32>
      %add3A_487 = arith.addi %add3A_486, %mul3A_485 : vector<16xi32>
      tpu.vector_store_idx %arg7[%add3A_487], %get3A_474 : memref<2048xi32, #tpu.memory_space<vmem>>[vector<16xi32>], vector<16xi32>,
      %add3A_488 = arith.constant 1 : i32
      %add3A_489 = vector.broadcast %add3A_488 : i32 to vector<16xi32>
      %add3A_490 = arith.addi %add3A_487, %add3A_489 : vector<16xi32>
      tpu.vector_store_idx %arg7[%add3A_490], %get3A_480 : memref<2048xi32, #tpu.memory_space<vmem>>[vector<16xi32>], vector<16xi32>,
    }
    %scan3A_8 = arith.constant 64 : i32
    %multiple_of3A = arith.constant 0 : i32
    %multiple_of3A_9 = tpu.assume_multiple %multiple_of3A, 32 : i32
    %dma_start3A = arith.constant 0 : i32
    %dma_start3A_10 = arith.constant 0 : i32
    %dma_start3A_11 = arith.constant 0 : i32
    %dma_start3A_12 = tpu.memref_slice %arg8[%dma_start3A, %dma_start3A_10, %dma_start3A_11] : memref<4x32x512xf32, #tpu.memory_space<vmem>> -> memref<1x32x512xf32, #tpu.memory_space<vmem>>
    %dma_start3A_13 = tpu.memref_squeeze %dma_start3A_12 : memref<1x32x512xf32, #tpu.memory_space<vmem>> -> memref<32x512xf32, #tpu.memory_space<vmem>>
    %dma_start3A_14 = tpu.memref_slice %arg7[%multiple_of3A_9] : memref<2048xi32, #tpu.memory_space<vmem>> -> memref<32xi32, #tpu.memory_space<vmem>>
    %dma_start3A_15 = arith.constant 0 : i32
    %dma_start3A_16 = arith.constant 0 : i32
    %dma_start3A_17 = tpu.memref_slice %arg2[%dma_start3A_15, %dma_start3A_16] : memref<12288x512xf32, #tpu.memory_space<hbm>> -> memref<12288x512xf32, #tpu.memory_space<hbm>>
    tpu.enqueue_indirect_dma source(%dma_start3A_17 : memref<12288x512xf32, #tpu.memory_space<hbm>>) target(%dma_start3A_13 : memref<32x512xf32, #tpu.memory_space<vmem>>) offsets(%dma_start3A_14 : memref<32xi32, #tpu.memory_space<vmem>>) semaphore(%arg9 : memref<!tpu.dma_semaphore, #tpu.memory_space<semaphore_mem>>)
    %multiple_of3A_18 = arith.constant 32 : i32
    %multiple_of3A_19 = tpu.assume_multiple %multiple_of3A_18, 32 : i32
    %dma_start3A_20 = arith.constant 1 : i32
    %dma_start3A_21 = arith.constant 0 : i32
    %dma_start3A_22 = arith.constant 0 : i32
    %dma_start3A_23 = tpu.memref_slice %arg8[%dma_start3A_20, %dma_start3A_21, %dma_start3A_22] : memref<4x32x512xf32, #tpu.memory_space<vmem>> -> memref<1x32x512xf32, #tpu.memory_space<vmem>>
    %dma_start3A_24 = tpu.memref_squeeze %dma_start3A_23 : memref<1x32x512xf32, #tpu.memory_space<vmem>> -> memref<32x512xf32, #tpu.memory_space<vmem>>
    %dma_start3A_25 = tpu.memref_slice %arg7[%multiple_of3A_19] : memref<2048xi32, #tpu.memory_space<vmem>> -> memref<32xi32, #tpu.memory_space<vmem>>
    %dma_start3A_26 = arith.constant 0 : i32
    %dma_start3A_27 = arith.constant 0 : i32
    %dma_start3A_28 = tpu.memref_slice %arg2[%dma_start3A_26, %dma_start3A_27] : memref<12288x512xf32, #tpu.memory_space<hbm>> -> memref<12288x512xf32, #tpu.memory_space<hbm>>
    tpu.enqueue_indirect_dma source(%dma_start3A_28 : memref<12288x512xf32, #tpu.memory_space<hbm>>) target(%dma_start3A_24 : memref<32x512xf32, #tpu.memory_space<vmem>>) offsets(%dma_start3A_25 : memref<32xi32, #tpu.memory_space<vmem>>) semaphore(%arg10 : memref<!tpu.dma_semaphore, #tpu.memory_space<semaphore_mem>>)
    %dma_wait3A = arith.constant 0 : i32
    %dma_wait3A_29 = arith.constant 0 : i32
    %dma_wait3A_30 = arith.constant 0 : i32
    %dma_wait3A_31 = tpu.memref_slice %arg8[%dma_wait3A, %dma_wait3A_29, %dma_wait3A_30] : memref<4x32x512xf32, #tpu.memory_space<vmem>> -> memref<1x32x512xf32, #tpu.memory_space<vmem>>
    %dma_wait3A_32 = tpu.memref_squeeze %dma_wait3A_31 : memref<1x32x512xf32, #tpu.memory_space<vmem>> -> memref<32x512xf32, #tpu.memory_space<vmem>>
    %dma_wait3A_33 = arith.constant 0 : i32
    %dma_wait3A_34 = arith.constant 0 : i32
    %dma_wait3A_35 = tpu.memref_slice %arg2[%dma_wait3A_33, %dma_wait3A_34] : memref<12288x512xf32, #tpu.memory_space<hbm>> -> memref<32x512xf32, #tpu.memory_space<hbm>>
    %dma_wait3A_36 = arith.constant 0 : i32
    %dma_wait3A_37 = arith.constant 0 : i32
    %dma_wait3A_38 = tpu.memref_slice %arg8[%dma_wait3A, %dma_wait3A_36, %dma_wait3A_37] : memref<4x32x512xf32, #tpu.memory_space<vmem>> -> memref<1x32x512xf32, #tpu.memory_space<vmem>>
    %dma_wait3A_39 = tpu.memref_squeeze %dma_wait3A_38 : memref<1x32x512xf32, #tpu.memory_space<vmem>> -> memref<32x512xf32, #tpu.memory_space<vmem>>
    %dma_wait3A_40 = arith.constant 0 : i32
    %dma_wait3A_41 = arith.constant 0 : i32
    %dma_wait3A_42 = tpu.memref_slice %arg2[%dma_wait3A_40, %dma_wait3A_41] : memref<12288x512xf32, #tpu.memory_space<hbm>> -> memref<32x512xf32, #tpu.memory_space<hbm>>
    tpu.wait_dma2 semaphore(%arg9 : memref<!tpu.dma_semaphore, #tpu.memory_space<semaphore_mem>>) src(%dma_wait3A_42 : memref<32x512xf32, #tpu.memory_space<hbm>>) dst(%dma_wait3A_39 : memref<32x512xf32, #tpu.memory_space<vmem>>)
    %multiple_of3A_43 = arith.constant 0 : i32
    %multiple_of3A_44 = tpu.assume_multiple %multiple_of3A_43, 32 : i32
    %add3A_45 = arith.addi %mul3A_2, %multiple_of3A_44 : i32
    %dma_start3A_46 = arith.constant 0 : i32
    %dma_start3A_47 = arith.constant 0 : i32
    %dma_start3A_48 = arith.constant 0 : i32
    %dma_start3A_49 = tpu.memref_slice %arg8[%dma_start3A_46, %dma_start3A_47, %dma_start3A_48] : memref<4x32x512xf32, #tpu.memory_space<vmem>> -> memref<1x32x512xf32, #tpu.memory_space<vmem>>
    %dma_start3A_50 = tpu.memref_squeeze %dma_start3A_49 : memref<1x32x512xf32, #tpu.memory_space<vmem>> -> memref<32x512xf32, #tpu.memory_space<vmem>>
    %dma_start3A_51 = arith.constant 0 : i32
    %dma_start3A_52 = tpu.memref_slice %arg5[%add3A_45, %dma_start3A_51] : memref<65536x512xf32, #tpu.memory_space<hbm>> -> memref<32x512xf32, #tpu.memory_space<hbm>>
    %dma_start3A_53 = arith.constant 0 : i32
    %dma_start3A_54 = tpu.memref_slice %arg5[%add3A_45, %dma_start3A_53] : memref<65536x512xf32, #tpu.memory_space<hbm>> -> memref<32x512xf32, #tpu.memory_space<hbm>>
    %dma_start3A_55 = arith.constant 0 : i32
    %dma_start3A_56 = arith.constant 0 : i32
    %dma_start3A_57 = tpu.memref_slice %arg8[%dma_start3A_46, %dma_start3A_55, %dma_start3A_56] : memref<4x32x512xf32, #tpu.memory_space<vmem>> -> memref<1x32x512xf32, #tpu.memory_space<vmem>>
    %dma_start3A_58 = tpu.memref_squeeze %dma_start3A_57 : memref<1x32x512xf32, #tpu.memory_space<vmem>> -> memref<32x512xf32, #tpu.memory_space<vmem>>
    tpu.enqueue_dma source(%dma_start3A_58 : memref<32x512xf32, #tpu.memory_space<vmem>>) target(%dma_start3A_54 : memref<32x512xf32, #tpu.memory_space<hbm>>) target_semaphore(%arg13 : memref<!tpu.dma_semaphore, #tpu.memory_space<semaphore_mem>>)
    %multiple_of3A_59 = arith.constant 64 : i32
    %multiple_of3A_60 = tpu.assume_multiple %multiple_of3A_59, 32 : i32
    %dma_start3A_61 = arith.constant 2 : i32
    %dma_start3A_62 = arith.constant 0 : i32
    %dma_start3A_63 = arith.constant 0 : i32
    %dma_start3A_64 = tpu.memref_slice %arg8[%dma_start3A_61, %dma_start3A_62, %dma_start3A_63] : memref<4x32x512xf32, #tpu.memory_space<vmem>> -> memref<1x32x512xf32, #tpu.memory_space<vmem>>
    %dma_start3A_65 = tpu.memref_squeeze %dma_start3A_64 : memref<1x32x512xf32, #tpu.memory_space<vmem>> -> memref<32x512xf32, #tpu.memory_space<vmem>>
    %dma_start3A_66 = tpu.memref_slice %arg7[%multiple_of3A_60] : memref<2048xi32, #tpu.memory_space<vmem>> -> memref<32xi32, #tpu.memory_space<vmem>>
    %dma_start3A_67 = arith.constant 0 : i32
    %dma_start3A_68 = arith.constant 0 : i32
    %dma_start3A_69 = tpu.memref_slice %arg2[%dma_start3A_67, %dma_start3A_68] : memref<12288x512xf32, #tpu.memory_space<hbm>> -> memref<12288x512xf32, #tpu.memory_space<hbm>>
    tpu.enqueue_indirect_dma source(%dma_start3A_69 : memref<12288x512xf32, #tpu.memory_space<hbm>>) target(%dma_start3A_65 : memref<32x512xf32, #tpu.memory_space<vmem>>) offsets(%dma_start3A_66 : memref<32xi32, #tpu.memory_space<vmem>>) semaphore(%arg11 : memref<!tpu.dma_semaphore, #tpu.memory_space<semaphore_mem>>)
    %dma_wait3A_70 = arith.constant 1 : i32
    %dma_wait3A_71 = arith.constant 0 : i32
    %dma_wait3A_72 = arith.constant 0 : i32
    %dma_wait3A_73 = tpu.memref_slice %arg8[%dma_wait3A_70, %dma_wait3A_71, %dma_wait3A_72] : memref<4x32x512xf32, #tpu.memory_space<vmem>> -> memref<1x32x512xf32, #tpu.memory_space<vmem>>
    %dma_wait3A_74 = tpu.memref_squeeze %dma_wait3A_73 : memref<1x32x512xf32, #tpu.memory_space<vmem>> -> memref<32x512xf32, #tpu.memory_space<vmem>>
    %dma_wait3A_75 = arith.constant 0 : i32
    %dma_wait3A_76 = arith.constant 0 : i32
    %dma_wait3A_77 = tpu.memref_slice %arg2[%dma_wait3A_75, %dma_wait3A_76] : memref<12288x512xf32, #tpu.memory_space<hbm>> -> memref<32x512xf32, #tpu.memory_space<hbm>>
    %dma_wait3A_78 = arith.constant 0 : i32
    %dma_wait3A_79 = arith.constant 0 : i32
    %dma_wait3A_80 = tpu.memref_slice %arg8[%dma_wait3A_70, %dma_wait3A_78, %dma_wait3A_79] : memref<4x32x512xf32, #tpu.memory_space<vmem>> -> memref<1x32x512xf32, #tpu.memory_space<vmem>>
    %dma_wait3A_81 = tpu.memref_squeeze %dma_wait3A_80 : memref<1x32x512xf32, #tpu.memory_space<vmem>> -> memref<32x512xf32, #tpu.memory_space<vmem>>
    %dma_wait3A_82 = arith.constant 0 : i32
    %dma_wait3A_83 = arith.constant 0 : i32
    %dma_wait3A_84 = tpu.memref_slice %arg2[%dma_wait3A_82, %dma_wait3A_83] : memref<12288x512xf32, #tpu.memory_space<hbm>> -> memref<32x512xf32, #tpu.memory_space<hbm>>
    tpu.wait_dma2 semaphore(%arg10 : memref<!tpu.dma_semaphore, #tpu.memory_space<semaphore_mem>>) src(%dma_wait3A_84 : memref<32x512xf32, #tpu.memory_space<hbm>>) dst(%dma_wait3A_81 : memref<32x512xf32, #tpu.memory_space<vmem>>)
    %multiple_of3A_85 = arith.constant 32 : i32
    %multiple_of3A_86 = tpu.assume_multiple %multiple_of3A_85, 32 : i32
    %add3A_87 = arith.addi %mul3A_2, %multiple_of3A_86 : i32
    %dma_start3A_88 = arith.constant 1 : i32
    %dma_start3A_89 = arith.constant 0 : i32
    %dma_start3A_90 = arith.constant 0 : i32
    %dma_start3A_91 = tpu.memref_slice %arg8[%dma_start3A_88, %dma_start3A_89, %dma_start3A_90] : memref<4x32x512xf32, #tpu.memory_space<vmem>> -> memref<1x32x512xf32, #tpu.memory_space<vmem>>
    %dma_start3A_92 = tpu.memref_squeeze %dma_start3A_91 : memref<1x32x512xf32, #tpu.memory_space<vmem>> -> memref<32x512xf32, #tpu.memory_space<vmem>>
    %dma_start3A_93 = arith.constant 0 : i32
    %dma_start3A_94 = tpu.memref_slice %arg5[%add3A_87, %dma_start3A_93] : memref<65536x512xf32, #tpu.memory_space<hbm>> -> memref<32x512xf32, #tpu.memory_space<hbm>>
    %dma_start3A_95 = arith.constant 0 : i32
    %dma_start3A_96 = tpu.memref_slice %arg5[%add3A_87, %dma_start3A_95] : memref<65536x512xf32, #tpu.memory_space<hbm>> -> memref<32x512xf32, #tpu.memory_space<hbm>>
    %dma_start3A_97 = arith.constant 0 : i32
    %dma_start3A_98 = arith.constant 0 : i32
    %dma_start3A_99 = tpu.memref_slice %arg8[%dma_start3A_88, %dma_start3A_97, %dma_start3A_98] : memref<4x32x512xf32, #tpu.memory_space<vmem>> -> memref<1x32x512xf32, #tpu.memory_space<vmem>>
    %dma_start3A_100 = tpu.memref_squeeze %dma_start3A_99 : memref<1x32x512xf32, #tpu.memory_space<vmem>> -> memref<32x512xf32, #tpu.memory_space<vmem>>
    tpu.enqueue_dma source(%dma_start3A_100 : memref<32x512xf32, #tpu.memory_space<vmem>>) target(%dma_start3A_96 : memref<32x512xf32, #tpu.memory_space<hbm>>) target_semaphore(%arg14 : memref<!tpu.dma_semaphore, #tpu.memory_space<semaphore_mem>>)
    %multiple_of3A_101 = arith.constant 96 : i32
    %multiple_of3A_102 = tpu.assume_multiple %multiple_of3A_101, 32 : i32
    %dma_start3A_103 = arith.constant 3 : i32
    %dma_start3A_104 = arith.constant 0 : i32
    %dma_start3A_105 = arith.constant 0 : i32
    %dma_start3A_106 = tpu.memref_slice %arg8[%dma_start3A_103, %dma_start3A_104, %dma_start3A_105] : memref<4x32x512xf32, #tpu.memory_space<vmem>> -> memref<1x32x512xf32, #tpu.memory_space<vmem>>
    %dma_start3A_107 = tpu.memref_squeeze %dma_start3A_106 : memref<1x32x512xf32, #tpu.memory_space<vmem>> -> memref<32x512xf32, #tpu.memory_space<vmem>>
    %dma_start3A_108 = tpu.memref_slice %arg7[%multiple_of3A_102] : memref<2048xi32, #tpu.memory_space<vmem>> -> memref<32xi32, #tpu.memory_space<vmem>>
    %dma_start3A_109 = arith.constant 0 : i32
    %dma_start3A_110 = arith.constant 0 : i32
    %dma_start3A_111 = tpu.memref_slice %arg2[%dma_start3A_109, %dma_start3A_110] : memref<12288x512xf32, #tpu.memory_space<hbm>> -> memref<12288x512xf32, #tpu.memory_space<hbm>>
    tpu.enqueue_indirect_dma source(%dma_start3A_111 : memref<12288x512xf32, #tpu.memory_space<hbm>>) target(%dma_start3A_107 : memref<32x512xf32, #tpu.memory_space<vmem>>) offsets(%dma_start3A_108 : memref<32xi32, #tpu.memory_space<vmem>>) semaphore(%arg12 : memref<!tpu.dma_semaphore, #tpu.memory_space<semaphore_mem>>)
    %dma_wait3A_112 = arith.constant 2 : i32
    %dma_wait3A_113 = arith.constant 0 : i32
    %dma_wait3A_114 = arith.constant 0 : i32
    %dma_wait3A_115 = tpu.memref_slice %arg8[%dma_wait3A_112, %dma_wait3A_113, %dma_wait3A_114] : memref<4x32x512xf32, #tpu.memory_space<vmem>> -> memref<1x32x512xf32, #tpu.memory_space<vmem>>
    %dma_wait3A_116 = tpu.memref_squeeze %dma_wait3A_115 : memref<1x32x512xf32, #tpu.memory_space<vmem>> -> memref<32x512xf32, #tpu.memory_space<vmem>>
    %dma_wait3A_117 = arith.constant 0 : i32
    %dma_wait3A_118 = arith.constant 0 : i32
    %dma_wait3A_119 = tpu.memref_slice %arg2[%dma_wait3A_117, %dma_wait3A_118] : memref<12288x512xf32, #tpu.memory_space<hbm>> -> memref<32x512xf32, #tpu.memory_space<hbm>>
    %dma_wait3A_120 = arith.constant 0 : i32
    %dma_wait3A_121 = arith.constant 0 : i32
    %dma_wait3A_122 = tpu.memref_slice %arg8[%dma_wait3A_112, %dma_wait3A_120, %dma_wait3A_121] : memref<4x32x512xf32, #tpu.memory_space<vmem>> -> memref<1x32x512xf32, #tpu.memory_space<vmem>>
    %dma_wait3A_123 = tpu.memref_squeeze %dma_wait3A_122 : memref<1x32x512xf32, #tpu.memory_space<vmem>> -> memref<32x512xf32, #tpu.memory_space<vmem>>
    %dma_wait3A_124 = arith.constant 0 : i32
    %dma_wait3A_125 = arith.constant 0 : i32
    %dma_wait3A_126 = tpu.memref_slice %arg2[%dma_wait3A_124, %dma_wait3A_125] : memref<12288x512xf32, #tpu.memory_space<hbm>> -> memref<32x512xf32, #tpu.memory_space<hbm>>
    tpu.wait_dma2 semaphore(%arg11 : memref<!tpu.dma_semaphore, #tpu.memory_space<semaphore_mem>>) src(%dma_wait3A_126 : memref<32x512xf32, #tpu.memory_space<hbm>>) dst(%dma_wait3A_123 : memref<32x512xf32, #tpu.memory_space<vmem>>)
    %multiple_of3A_127 = arith.constant 64 : i32
    %multiple_of3A_128 = tpu.assume_multiple %multiple_of3A_127, 32 : i32
    %add3A_129 = arith.addi %mul3A_2, %multiple_of3A_128 : i32
    %dma_start3A_130 = arith.constant 2 : i32
    %dma_start3A_131 = arith.constant 0 : i32
    %dma_start3A_132 = arith.constant 0 : i32
    %dma_start3A_133 = tpu.memref_slice %arg8[%dma_start3A_130, %dma_start3A_131, %dma_start3A_132] : memref<4x32x512xf32, #tpu.memory_space<vmem>> -> memref<1x32x512xf32, #tpu.memory_space<vmem>>
    %dma_start3A_134 = tpu.memref_squeeze %dma_start3A_133 : memref<1x32x512xf32, #tpu.memory_space<vmem>> -> memref<32x512xf32, #tpu.memory_space<vmem>>
    %dma_start3A_135 = arith.constant 0 : i32
    %dma_start3A_136 = tpu.memref_slice %arg5[%add3A_129, %dma_start3A_135] : memref<65536x512xf32, #tpu.memory_space<hbm>> -> memref<32x512xf32, #tpu.memory_space<hbm>>
    %dma_start3A_137 = arith.constant 0 : i32
    %dma_start3A_138 = tpu.memref_slice %arg5[%add3A_129, %dma_start3A_137] : memref<65536x512xf32, #tpu.memory_space<hbm>> -> memref<32x512xf32, #tpu.memory_space<hbm>>
    %dma_start3A_139 = arith.constant 0 : i32
    %dma_start3A_140 = arith.constant 0 : i32
    %dma_start3A_141 = tpu.memref_slice %arg8[%dma_start3A_130, %dma_start3A_139, %dma_start3A_140] : memref<4x32x512xf32, #tpu.memory_space<vmem>> -> memref<1x32x512xf32, #tpu.memory_space<vmem>>
    %dma_start3A_142 = tpu.memref_squeeze %dma_start3A_141 : memref<1x32x512xf32, #tpu.memory_space<vmem>> -> memref<32x512xf32, #tpu.memory_space<vmem>>
    tpu.enqueue_dma source(%dma_start3A_142 : memref<32x512xf32, #tpu.memory_space<vmem>>) target(%dma_start3A_138 : memref<32x512xf32, #tpu.memory_space<hbm>>) target_semaphore(%arg15 : memref<!tpu.dma_semaphore, #tpu.memory_space<semaphore_mem>>)
    %dma_wait3A_143 = arith.constant 0 : i32
    %dma_wait3A_144 = arith.constant 0 : i32
    %dma_wait3A_145 = arith.constant 0 : i32
    %dma_wait3A_146 = tpu.memref_slice %arg8[%dma_wait3A_143, %dma_wait3A_144, %dma_wait3A_145] : memref<4x32x512xf32, #tpu.memory_space<vmem>> -> memref<1x32x512xf32, #tpu.memory_space<vmem>>
    %dma_wait3A_147 = tpu.memref_squeeze %dma_wait3A_146 : memref<1x32x512xf32, #tpu.memory_space<vmem>> -> memref<32x512xf32, #tpu.memory_space<vmem>>
    %dma_wait3A_148 = arith.constant 0 : i32
    %dma_wait3A_149 = arith.constant 0 : i32
    %dma_wait3A_150 = tpu.memref_slice %arg5[%dma_wait3A_148, %dma_wait3A_149] : memref<65536x512xf32, #tpu.memory_space<hbm>> -> memref<32x512xf32, #tpu.memory_space<hbm>>
    %dma_wait3A_151 = arith.constant 0 : i32
    %dma_wait3A_152 = arith.constant 0 : i32
    %dma_wait3A_153 = tpu.memref_slice %arg5[%dma_wait3A_151, %dma_wait3A_152] : memref<65536x512xf32, #tpu.memory_space<hbm>> -> memref<32x512xf32, #tpu.memory_space<hbm>>
    %dma_wait3A_154 = arith.constant 0 : i32
    %dma_wait3A_155 = arith.constant 0 : i32
    %dma_wait3A_156 = tpu.memref_slice %arg8[%dma_wait3A_143, %dma_wait3A_154, %dma_wait3A_155] : memref<4x32x512xf32, #tpu.memory_space<vmem>> -> memref<1x32x512xf32, #tpu.memory_space<vmem>>
    %dma_wait3A_157 = tpu.memref_squeeze %dma_wait3A_156 : memref<1x32x512xf32, #tpu.memory_space<vmem>> -> memref<32x512xf32, #tpu.memory_space<vmem>>
    tpu.wait_dma2 semaphore(%arg13 : memref<!tpu.dma_semaphore, #tpu.memory_space<semaphore_mem>>) src(%dma_wait3A_157 : memref<32x512xf32, #tpu.memory_space<vmem>>) dst(%dma_wait3A_153 : memref<32x512xf32, #tpu.memory_space<hbm>>)
    %multiple_of3A_158 = arith.constant 128 : i32
    %multiple_of3A_159 = tpu.assume_multiple %multiple_of3A_158, 32 : i32
    %dma_start3A_160 = arith.constant 0 : i32
    %dma_start3A_161 = arith.constant 0 : i32
    %dma_start3A_162 = arith.constant 0 : i32
    %dma_start3A_163 = tpu.memref_slice %arg8[%dma_start3A_160, %dma_start3A_161, %dma_start3A_162] : memref<4x32x512xf32, #tpu.memory_space<vmem>> -> memref<1x32x512xf32, #tpu.memory_space<vmem>>
    %dma_start3A_164 = tpu.memref_squeeze %dma_start3A_163 : memref<1x32x512xf32, #tpu.memory_space<vmem>> -> memref<32x512xf32, #tpu.memory_space<vmem>>
    %dma_start3A_165 = tpu.memref_slice %arg7[%multiple_of3A_159] : memref<2048xi32, #tpu.memory_space<vmem>> -> memref<32xi32, #tpu.memory_space<vmem>>
    %dma_start3A_166 = arith.constant 0 : i32
    %dma_start3A_167 = arith.constant 0 : i32
    %dma_start3A_168 = tpu.memref_slice %arg2[%dma_start3A_166, %dma_start3A_167] : memref<12288x512xf32, #tpu.memory_space<hbm>> -> memref<12288x512xf32, #tpu.memory_space<hbm>>
    tpu.enqueue_indirect_dma source(%dma_start3A_168 : memref<12288x512xf32, #tpu.memory_space<hbm>>) target(%dma_start3A_164 : memref<32x512xf32, #tpu.memory_space<vmem>>) offsets(%dma_start3A_165 : memref<32xi32, #tpu.memory_space<vmem>>) semaphore(%arg9 : memref<!tpu.dma_semaphore, #tpu.memory_space<semaphore_mem>>)
    %dma_wait3A_169 = arith.constant 3 : i32
    %dma_wait3A_170 = arith.constant 0 : i32
    %dma_wait3A_171 = arith.constant 0 : i32
    %dma_wait3A_172 = tpu.memref_slice %arg8[%dma_wait3A_169, %dma_wait3A_170, %dma_wait3A_171] : memref<4x32x512xf32, #tpu.memory_space<vmem>> -> memref<1x32x512xf32, #tpu.memory_space<vmem>>
    %dma_wait3A_173 = tpu.memref_squeeze %dma_wait3A_172 : memref<1x32x512xf32, #tpu.memory_space<vmem>> -> memref<32x512xf32, #tpu.memory_space<vmem>>
    %dma_wait3A_174 = arith.constant 0 : i32
    %dma_wait3A_175 = arith.constant 0 : i32
    %dma_wait3A_176 = tpu.memref_slice %arg2[%dma_wait3A_174, %dma_wait3A_175] : memref<12288x512xf32, #tpu.memory_space<hbm>> -> memref<32x512xf32, #tpu.memory_space<hbm>>
    %dma_wait3A_177 = arith.constant 0 : i32
    %dma_wait3A_178 = arith.constant 0 : i32
    %dma_wait3A_179 = tpu.memref_slice %arg8[%dma_wait3A_169, %dma_wait3A_177, %dma_wait3A_178] : memref<4x32x512xf32, #tpu.memory_space<vmem>> -> memref<1x32x512xf32, #tpu.memory_space<vmem>>
    %dma_wait3A_180 = tpu.memref_squeeze %dma_wait3A_179 : memref<1x32x512xf32, #tpu.memory_space<vmem>> -> memref<32x512xf32, #tpu.memory_space<vmem>>
    %dma_wait3A_181 = arith.constant 0 : i32
    %dma_wait3A_182 = arith.constant 0 : i32
    %dma_wait3A_183 = tpu.memref_slice %arg2[%dma_wait3A_181, %dma_wait3A_182] : memref<12288x512xf32, #tpu.memory_space<hbm>> -> memref<32x512xf32, #tpu.memory_space<hbm>>
    tpu.wait_dma2 semaphore(%arg12 : memref<!tpu.dma_semaphore, #tpu.memory_space<semaphore_mem>>) src(%dma_wait3A_183 : memref<32x512xf32, #tpu.memory_space<hbm>>) dst(%dma_wait3A_180 : memref<32x512xf32, #tpu.memory_space<vmem>>)
    %multiple_of3A_184 = arith.constant 96 : i32
    %multiple_of3A_185 = tpu.assume_multiple %multiple_of3A_184, 32 : i32
    %add3A_186 = arith.addi %mul3A_2, %multiple_of3A_185 : i32
    %dma_start3A_187 = arith.constant 3 : i32
    %dma_start3A_188 = arith.constant 0 : i32
    %dma_start3A_189 = arith.constant 0 : i32
    %dma_start3A_190 = tpu.memref_slice %arg8[%dma_start3A_187, %dma_start3A_188, %dma_start3A_189] : memref<4x32x512xf32, #tpu.memory_space<vmem>> -> memref<1x32x512xf32, #tpu.memory_space<vmem>>
    %dma_start3A_191 = tpu.memref_squeeze %dma_start3A_190 : memref<1x32x512xf32, #tpu.memory_space<vmem>> -> memref<32x512xf32, #tpu.memory_space<vmem>>
    %dma_start3A_192 = arith.constant 0 : i32
    %dma_start3A_193 = tpu.memref_slice %arg5[%add3A_186, %dma_start3A_192] : memref<65536x512xf32, #tpu.memory_space<hbm>> -> memref<32x512xf32, #tpu.memory_space<hbm>>
    %dma_start3A_194 = arith.constant 0 : i32
    %dma_start3A_195 = tpu.memref_slice %arg5[%add3A_186, %dma_start3A_194] : memref<65536x512xf32, #tpu.memory_space<hbm>> -> memref<32x512xf32, #tpu.memory_space<hbm>>
    %dma_start3A_196 = arith.constant 0 : i32
    %dma_start3A_197 = arith.constant 0 : i32
    %dma_start3A_198 = tpu.memref_slice %arg8[%dma_start3A_187, %dma_start3A_196, %dma_start3A_197] : memref<4x32x512xf32, #tpu.memory_space<vmem>> -> memref<1x32x512xf32, #tpu.memory_space<vmem>>
    %dma_start3A_199 = tpu.memref_squeeze %dma_start3A_198 : memref<1x32x512xf32, #tpu.memory_space<vmem>> -> memref<32x512xf32, #tpu.memory_space<vmem>>
    tpu.enqueue_dma source(%dma_start3A_199 : memref<32x512xf32, #tpu.memory_space<vmem>>) target(%dma_start3A_195 : memref<32x512xf32, #tpu.memory_space<hbm>>) target_semaphore(%arg16 : memref<!tpu.dma_semaphore, #tpu.memory_space<semaphore_mem>>)
    %dma_wait3A_200 = arith.constant 1 : i32
    %dma_wait3A_201 = arith.constant 0 : i32
    %dma_wait3A_202 = arith.constant 0 : i32
    %dma_wait3A_203 = tpu.memref_slice %arg8[%dma_wait3A_200, %dma_wait3A_201, %dma_wait3A_202] : memref<4x32x512xf32, #tpu.memory_space<vmem>> -> memref<1x32x512xf32, #tpu.memory_space<vmem>>
    %dma_wait3A_204 = tpu.memref_squeeze %dma_wait3A_203 : memref<1x32x512xf32, #tpu.memory_space<vmem>> -> memref<32x512xf32, #tpu.memory_space<vmem>>
    %dma_wait3A_205 = arith.constant 0 : i32
    %dma_wait3A_206 = arith.constant 0 : i32
    %dma_wait3A_207 = tpu.memref_slice %arg5[%dma_wait3A_205, %dma_wait3A_206] : memref<65536x512xf32, #tpu.memory_space<hbm>> -> memref<32x512xf32, #tpu.memory_space<hbm>>
    %dma_wait3A_208 = arith.constant 0 : i32
    %dma_wait3A_209 = arith.constant 0 : i32
    %dma_wait3A_210 = tpu.memref_slice %arg5[%dma_wait3A_208, %dma_wait3A_209] : memref<65536x512xf32, #tpu.memory_space<hbm>> -> memref<32x512xf32, #tpu.memory_space<hbm>>
    %dma_wait3A_211 = arith.constant 0 : i32
    %dma_wait3A_212 = arith.constant 0 : i32
    %dma_wait3A_213 = tpu.memref_slice %arg8[%dma_wait3A_200, %dma_wait3A_211, %dma_wait3A_212] : memref<4x32x512xf32, #tpu.memory_space<vmem>> -> memref<1x32x512xf32, #tpu.memory_space<vmem>>
    %dma_wait3A_214 = tpu.memref_squeeze %dma_wait3A_213 : memref<1x32x512xf32, #tpu.memory_space<vmem>> -> memref<32x512xf32, #tpu.memory_space<vmem>>
    tpu.wait_dma2 semaphore(%arg14 : memref<!tpu.dma_semaphore, #tpu.memory_space<semaphore_mem>>) src(%dma_wait3A_214 : memref<32x512xf32, #tpu.memory_space<vmem>>) dst(%dma_wait3A_210 : memref<32x512xf32, #tpu.memory_space<hbm>>)
    %multiple_of3A_215 = arith.constant 160 : i32
    %multiple_of3A_216 = tpu.assume_multiple %multiple_of3A_215, 32 : i32
    %dma_start3A_217 = arith.constant 1 : i32
    %dma_start3A_218 = arith.constant 0 : i32
    %dma_start3A_219 = arith.constant 0 : i32
    %dma_start3A_220 = tpu.memref_slice %arg8[%dma_start3A_217, %dma_start3A_218, %dma_start3A_219] : memref<4x32x512xf32, #tpu.memory_space<vmem>> -> memref<1x32x512xf32, #tpu.memory_space<vmem>>
    %dma_start3A_221 = tpu.memref_squeeze %dma_start3A_220 : memref<1x32x512xf32, #tpu.memory_space<vmem>> -> memref<32x512xf32, #tpu.memory_space<vmem>>
    %dma_start3A_222 = tpu.memref_slice %arg7[%multiple_of3A_216] : memref<2048xi32, #tpu.memory_space<vmem>> -> memref<32xi32, #tpu.memory_space<vmem>>
    %dma_start3A_223 = arith.constant 0 : i32
    %dma_start3A_224 = arith.constant 0 : i32
    %dma_start3A_225 = tpu.memref_slice %arg2[%dma_start3A_223, %dma_start3A_224] : memref<12288x512xf32, #tpu.memory_space<hbm>> -> memref<12288x512xf32, #tpu.memory_space<hbm>>
    tpu.enqueue_indirect_dma source(%dma_start3A_225 : memref<12288x512xf32, #tpu.memory_space<hbm>>) target(%dma_start3A_221 : memref<32x512xf32, #tpu.memory_space<vmem>>) offsets(%dma_start3A_222 : memref<32xi32, #tpu.memory_space<vmem>>) semaphore(%arg10 : memref<!tpu.dma_semaphore, #tpu.memory_space<semaphore_mem>>)
    %scan3A_226 = arith.constant 0 : i32
    %scan3A_227 = arith.constant 14 : i32
    %scan3A_228 = arith.addi %scan3A_226, %scan3A_227 : i32
    %scan3A_229 = arith.constant 1 : i32
    scf.for %scan3A_467 = %scan3A_226 to %scan3A_228 step %scan3A_229  : i32 {
      %mul3A_468 = arith.constant 1 : i32
      %mul3A_469 = arith.muli %scan3A_467, %mul3A_468 : i32
      %add3A_470 = arith.constant 1 : i32
      %add3A_471 = arith.addi %add3A_470, %mul3A_469 : i32
      %mul3A_472 = arith.constant 4 : i32
      %mul3A_473 = arith.muli %add3A_471, %mul3A_472 : i32
      %dma_wait3A_474 = arith.constant 0 : i32
      %dma_wait3A_475 = arith.constant 0 : i32
      %dma_wait3A_476 = arith.constant 0 : i32
      %dma_wait3A_477 = tpu.memref_slice %arg8[%dma_wait3A_474, %dma_wait3A_475, %dma_wait3A_476] : memref<4x32x512xf32, #tpu.memory_space<vmem>> -> memref<1x32x512xf32, #tpu.memory_space<vmem>>
      %dma_wait3A_478 = tpu.memref_squeeze %dma_wait3A_477 : memref<1x32x512xf32, #tpu.memory_space<vmem>> -> memref<32x512xf32, #tpu.memory_space<vmem>>
      %dma_wait3A_479 = arith.constant 0 : i32
      %dma_wait3A_480 = arith.constant 0 : i32
      %dma_wait3A_481 = tpu.memref_slice %arg2[%dma_wait3A_479, %dma_wait3A_480] : memref<12288x512xf32, #tpu.memory_space<hbm>> -> memref<32x512xf32, #tpu.memory_space<hbm>>
      %dma_wait3A_482 = arith.constant 0 : i32
      %dma_wait3A_483 = arith.constant 0 : i32
      %dma_wait3A_484 = tpu.memref_slice %arg8[%dma_wait3A_474, %dma_wait3A_482, %dma_wait3A_483] : memref<4x32x512xf32, #tpu.memory_space<vmem>> -> memref<1x32x512xf32, #tpu.memory_space<vmem>>
      %dma_wait3A_485 = tpu.memref_squeeze %dma_wait3A_484 : memref<1x32x512xf32, #tpu.memory_space<vmem>> -> memref<32x512xf32, #tpu.memory_space<vmem>>
      %dma_wait3A_486 = arith.constant 0 : i32
      %dma_wait3A_487 = arith.constant 0 : i32
      %dma_wait3A_488 = tpu.memref_slice %arg2[%dma_wait3A_486, %dma_wait3A_487] : memref<12288x512xf32, #tpu.memory_space<hbm>> -> memref<32x512xf32, #tpu.memory_space<hbm>>
      tpu.wait_dma2 semaphore(%arg9 : memref<!tpu.dma_semaphore, #tpu.memory_space<semaphore_mem>>) src(%dma_wait3A_488 : memref<32x512xf32, #tpu.memory_space<hbm>>) dst(%dma_wait3A_485 : memref<32x512xf32, #tpu.memory_space<vmem>>)
      %add3A_489 = arith.constant 0 : i32
      %add3A_490 = arith.addi %mul3A_473, %add3A_489 : i32
      %mul3A_491 = arith.constant 32 : i32
      %mul3A_492 = arith.muli %add3A_490, %mul3A_491 : i32
      %multiple_of3A_493 = tpu.assume_multiple %mul3A_492, 32 : i32
      %add3A_494 = arith.addi %mul3A_2, %multiple_of3A_493 : i32
      %dma_start3A_495 = arith.constant 0 : i32
      %dma_start3A_496 = arith.constant 0 : i32
      %dma_start3A_497 = arith.constant 0 : i32
      %dma_start3A_498 = tpu.memref_slice %arg8[%dma_start3A_495, %dma_start3A_496, %dma_start3A_497] : memref<4x32x512xf32, #tpu.memory_space<vmem>> -> memref<1x32x512xf32, #tpu.memory_space<vmem>>
      %dma_start3A_499 = tpu.memref_squeeze %dma_start3A_498 : memref<1x32x512xf32, #tpu.memory_space<vmem>> -> memref<32x512xf32, #tpu.memory_space<vmem>>
      %dma_start3A_500 = arith.constant 0 : i32
      %dma_start3A_501 = tpu.memref_slice %arg5[%add3A_494, %dma_start3A_500] : memref<65536x512xf32, #tpu.memory_space<hbm>> -> memref<32x512xf32, #tpu.memory_space<hbm>>
      %dma_start3A_502 = arith.constant 0 : i32
      %dma_start3A_503 = tpu.memref_slice %arg5[%add3A_494, %dma_start3A_502] : memref<65536x512xf32, #tpu.memory_space<hbm>> -> memref<32x512xf32, #tpu.memory_space<hbm>>
      %dma_start3A_504 = arith.constant 0 : i32
      %dma_start3A_505 = arith.constant 0 : i32
      %dma_start3A_506 = tpu.memref_slice %arg8[%dma_start3A_495, %dma_start3A_504, %dma_start3A_505] : memref<4x32x512xf32, #tpu.memory_space<vmem>> -> memref<1x32x512xf32, #tpu.memory_space<vmem>>
      %dma_start3A_507 = tpu.memref_squeeze %dma_start3A_506 : memref<1x32x512xf32, #tpu.memory_space<vmem>> -> memref<32x512xf32, #tpu.memory_space<vmem>>
      tpu.enqueue_dma source(%dma_start3A_507 : memref<32x512xf32, #tpu.memory_space<vmem>>) target(%dma_start3A_503 : memref<32x512xf32, #tpu.memory_space<hbm>>) target_semaphore(%arg13 : memref<!tpu.dma_semaphore, #tpu.memory_space<semaphore_mem>>)
      %dma_wait3A_508 = arith.constant 2 : i32
      %dma_wait3A_509 = arith.constant 0 : i32
      %dma_wait3A_510 = arith.constant 0 : i32
      %dma_wait3A_511 = tpu.memref_slice %arg8[%dma_wait3A_508, %dma_wait3A_509, %dma_wait3A_510] : memref<4x32x512xf32, #tpu.memory_space<vmem>> -> memref<1x32x512xf32, #tpu.memory_space<vmem>>
      %dma_wait3A_512 = tpu.memref_squeeze %dma_wait3A_511 : memref<1x32x512xf32, #tpu.memory_space<vmem>> -> memref<32x512xf32, #tpu.memory_space<vmem>>
      %dma_wait3A_513 = arith.constant 0 : i32
      %dma_wait3A_514 = arith.constant 0 : i32
      %dma_wait3A_515 = tpu.memref_slice %arg5[%dma_wait3A_513, %dma_wait3A_514] : memref<65536x512xf32, #tpu.memory_space<hbm>> -> memref<32x512xf32, #tpu.memory_space<hbm>>
      %dma_wait3A_516 = arith.constant 0 : i32
      %dma_wait3A_517 = arith.constant 0 : i32
      %dma_wait3A_518 = tpu.memref_slice %arg5[%dma_wait3A_516, %dma_wait3A_517] : memref<65536x512xf32, #tpu.memory_space<hbm>> -> memref<32x512xf32, #tpu.memory_space<hbm>>
      %dma_wait3A_519 = arith.constant 0 : i32
      %dma_wait3A_520 = arith.constant 0 : i32
      %dma_wait3A_521 = tpu.memref_slice %arg8[%dma_wait3A_508, %dma_wait3A_519, %dma_wait3A_520] : memref<4x32x512xf32, #tpu.memory_space<vmem>> -> memref<1x32x512xf32, #tpu.memory_space<vmem>>
      %dma_wait3A_522 = tpu.memref_squeeze %dma_wait3A_521 : memref<1x32x512xf32, #tpu.memory_space<vmem>> -> memref<32x512xf32, #tpu.memory_space<vmem>>
      tpu.wait_dma2 semaphore(%arg15 : memref<!tpu.dma_semaphore, #tpu.memory_space<semaphore_mem>>) src(%dma_wait3A_522 : memref<32x512xf32, #tpu.memory_space<vmem>>) dst(%dma_wait3A_518 : memref<32x512xf32, #tpu.memory_space<hbm>>)
      %add3A_523 = arith.constant 0 : i32
      %add3A_524 = arith.addi %mul3A_473, %add3A_523 : i32
      %add3A_525 = arith.constant 2 : i32
      %add3A_526 = arith.addi %add3A_524, %add3A_525 : i32
      %mul3A_527 = arith.constant 32 : i32
      %mul3A_528 = arith.muli %add3A_526, %mul3A_527 : i32
      %multiple_of3A_529 = tpu.assume_multiple %mul3A_528, 32 : i32
      %dma_start3A_530 = arith.constant 2 : i32
      %dma_start3A_531 = arith.constant 0 : i32
      %dma_start3A_532 = arith.constant 0 : i32
      %dma_start3A_533 = tpu.memref_slice %arg8[%dma_start3A_530, %dma_start3A_531, %dma_start3A_532] : memref<4x32x512xf32, #tpu.memory_space<vmem>> -> memref<1x32x512xf32, #tpu.memory_space<vmem>>
      %dma_start3A_534 = tpu.memref_squeeze %dma_start3A_533 : memref<1x32x512xf32, #tpu.memory_space<vmem>> -> memref<32x512xf32, #tpu.memory_space<vmem>>
      %dma_start3A_535 = tpu.memref_slice %arg7[%multiple_of3A_529] : memref<2048xi32, #tpu.memory_space<vmem>> -> memref<32xi32, #tpu.memory_space<vmem>>
      %dma_start3A_536 = arith.constant 0 : i32
      %dma_start3A_537 = arith.constant 0 : i32
      %dma_start3A_538 = tpu.memref_slice %arg2[%dma_start3A_536, %dma_start3A_537] : memref<12288x512xf32, #tpu.memory_space<hbm>> -> memref<12288x512xf32, #tpu.memory_space<hbm>>
      tpu.enqueue_indirect_dma source(%dma_start3A_538 : memref<12288x512xf32, #tpu.memory_space<hbm>>) target(%dma_start3A_534 : memref<32x512xf32, #tpu.memory_space<vmem>>) offsets(%dma_start3A_535 : memref<32xi32, #tpu.memory_space<vmem>>) semaphore(%arg11 : memref<!tpu.dma_semaphore, #tpu.memory_space<semaphore_mem>>)
      %dma_wait3A_539 = arith.constant 1 : i32
      %dma_wait3A_540 = arith.constant 0 : i32
      %dma_wait3A_541 = arith.constant 0 : i32
      %dma_wait3A_542 = tpu.memref_slice %arg8[%dma_wait3A_539, %dma_wait3A_540, %dma_wait3A_541] : memref<4x32x512xf32, #tpu.memory_space<vmem>> -> memref<1x32x512xf32, #tpu.memory_space<vmem>>
      %dma_wait3A_543 = tpu.memref_squeeze %dma_wait3A_542 : memref<1x32x512xf32, #tpu.memory_space<vmem>> -> memref<32x512xf32, #tpu.memory_space<vmem>>
      %dma_wait3A_544 = arith.constant 0 : i32
      %dma_wait3A_545 = arith.constant 0 : i32
      %dma_wait3A_546 = tpu.memref_slice %arg2[%dma_wait3A_544, %dma_wait3A_545] : memref<12288x512xf32, #tpu.memory_space<hbm>> -> memref<32x512xf32, #tpu.memory_space<hbm>>
      %dma_wait3A_547 = arith.constant 0 : i32
      %dma_wait3A_548 = arith.constant 0 : i32
      %dma_wait3A_549 = tpu.memref_slice %arg8[%dma_wait3A_539, %dma_wait3A_547, %dma_wait3A_548] : memref<4x32x512xf32, #tpu.memory_space<vmem>> -> memref<1x32x512xf32, #tpu.memory_space<vmem>>
      %dma_wait3A_550 = tpu.memref_squeeze %dma_wait3A_549 : memref<1x32x512xf32, #tpu.memory_space<vmem>> -> memref<32x512xf32, #tpu.memory_space<vmem>>
      %dma_wait3A_551 = arith.constant 0 : i32
      %dma_wait3A_552 = arith.constant 0 : i32
      %dma_wait3A_553 = tpu.memref_slice %arg2[%dma_wait3A_551, %dma_wait3A_552] : memref<12288x512xf32, #tpu.memory_space<hbm>> -> memref<32x512xf32, #tpu.memory_space<hbm>>
      tpu.wait_dma2 semaphore(%arg10 : memref<!tpu.dma_semaphore, #tpu.memory_space<semaphore_mem>>) src(%dma_wait3A_553 : memref<32x512xf32, #tpu.memory_space<hbm>>) dst(%dma_wait3A_550 : memref<32x512xf32, #tpu.memory_space<vmem>>)
      %add3A_554 = arith.constant 1 : i32
      %add3A_555 = arith.addi %mul3A_473, %add3A_554 : i32
      %mul3A_556 = arith.constant 32 : i32
      %mul3A_557 = arith.muli %add3A_555, %mul3A_556 : i32
      %multiple_of3A_558 = tpu.assume_multiple %mul3A_557, 32 : i32
      %add3A_559 = arith.addi %mul3A_2, %multiple_of3A_558 : i32
      %dma_start3A_560 = arith.constant 1 : i32
      %dma_start3A_561 = arith.constant 0 : i32
      %dma_start3A_562 = arith.constant 0 : i32
      %dma_start3A_563 = tpu.memref_slice %arg8[%dma_start3A_560, %dma_start3A_561, %dma_start3A_562] : memref<4x32x512xf32, #tpu.memory_space<vmem>> -> memref<1x32x512xf32, #tpu.memory_space<vmem>>
      %dma_start3A_564 = tpu.memref_squeeze %dma_start3A_563 : memref<1x32x512xf32, #tpu.memory_space<vmem>> -> memref<32x512xf32, #tpu.memory_space<vmem>>
      %dma_start3A_565 = arith.constant 0 : i32
      %dma_start3A_566 = tpu.memref_slice %arg5[%add3A_559, %dma_start3A_565] : memref<65536x512xf32, #tpu.memory_space<hbm>> -> memref<32x512xf32, #tpu.memory_space<hbm>>
      %dma_start3A_567 = arith.constant 0 : i32
      %dma_start3A_568 = tpu.memref_slice %arg5[%add3A_559, %dma_start3A_567] : memref<65536x512xf32, #tpu.memory_space<hbm>> -> memref<32x512xf32, #tpu.memory_space<hbm>>
      %dma_start3A_569 = arith.constant 0 : i32
      %dma_start3A_570 = arith.constant 0 : i32
      %dma_start3A_571 = tpu.memref_slice %arg8[%dma_start3A_560, %dma_start3A_569, %dma_start3A_570] : memref<4x32x512xf32, #tpu.memory_space<vmem>> -> memref<1x32x512xf32, #tpu.memory_space<vmem>>
      %dma_start3A_572 = tpu.memref_squeeze %dma_start3A_571 : memref<1x32x512xf32, #tpu.memory_space<vmem>> -> memref<32x512xf32, #tpu.memory_space<vmem>>
      tpu.enqueue_dma source(%dma_start3A_572 : memref<32x512xf32, #tpu.memory_space<vmem>>) target(%dma_start3A_568 : memref<32x512xf32, #tpu.memory_space<hbm>>) target_semaphore(%arg14 : memref<!tpu.dma_semaphore, #tpu.memory_space<semaphore_mem>>)
      %dma_wait3A_573 = arith.constant 3 : i32
      %dma_wait3A_574 = arith.constant 0 : i32
      %dma_wait3A_575 = arith.constant 0 : i32
      %dma_wait3A_576 = tpu.memref_slice %arg8[%dma_wait3A_573, %dma_wait3A_574, %dma_wait3A_575] : memref<4x32x512xf32, #tpu.memory_space<vmem>> -> memref<1x32x512xf32, #tpu.memory_space<vmem>>
      %dma_wait3A_577 = tpu.memref_squeeze %dma_wait3A_576 : memref<1x32x512xf32, #tpu.memory_space<vmem>> -> memref<32x512xf32, #tpu.memory_space<vmem>>
      %dma_wait3A_578 = arith.constant 0 : i32
      %dma_wait3A_579 = arith.constant 0 : i32
      %dma_wait3A_580 = tpu.memref_slice %arg5[%dma_wait3A_578, %dma_wait3A_579] : memref<65536x512xf32, #tpu.memory_space<hbm>> -> memref<32x512xf32, #tpu.memory_space<hbm>>
      %dma_wait3A_581 = arith.constant 0 : i32
      %dma_wait3A_582 = arith.constant 0 : i32
      %dma_wait3A_583 = tpu.memref_slice %arg5[%dma_wait3A_581, %dma_wait3A_582] : memref<65536x512xf32, #tpu.memory_space<hbm>> -> memref<32x512xf32, #tpu.memory_space<hbm>>
      %dma_wait3A_584 = arith.constant 0 : i32
      %dma_wait3A_585 = arith.constant 0 : i32
      %dma_wait3A_586 = tpu.memref_slice %arg8[%dma_wait3A_573, %dma_wait3A_584, %dma_wait3A_585] : memref<4x32x512xf32, #tpu.memory_space<vmem>> -> memref<1x32x512xf32, #tpu.memory_space<vmem>>
      %dma_wait3A_587 = tpu.memref_squeeze %dma_wait3A_586 : memref<1x32x512xf32, #tpu.memory_space<vmem>> -> memref<32x512xf32, #tpu.memory_space<vmem>>
      tpu.wait_dma2 semaphore(%arg16 : memref<!tpu.dma_semaphore, #tpu.memory_space<semaphore_mem>>) src(%dma_wait3A_587 : memref<32x512xf32, #tpu.memory_space<vmem>>) dst(%dma_wait3A_583 : memref<32x512xf32, #tpu.memory_space<hbm>>)
      %add3A_588 = arith.constant 1 : i32
      %add3A_589 = arith.addi %mul3A_473, %add3A_588 : i32
      %add3A_590 = arith.constant 2 : i32
      %add3A_591 = arith.addi %add3A_589, %add3A_590 : i32
      %mul3A_592 = arith.constant 32 : i32
      %mul3A_593 = arith.muli %add3A_591, %mul3A_592 : i32
      %multiple_of3A_594 = tpu.assume_multiple %mul3A_593, 32 : i32
      %dma_start3A_595 = arith.constant 3 : i32
      %dma_start3A_596 = arith.constant 0 : i32
      %dma_start3A_597 = arith.constant 0 : i32
      %dma_start3A_598 = tpu.memref_slice %arg8[%dma_start3A_595, %dma_start3A_596, %dma_start3A_597] : memref<4x32x512xf32, #tpu.memory_space<vmem>> -> memref<1x32x512xf32, #tpu.memory_space<vmem>>
      %dma_start3A_599 = tpu.memref_squeeze %dma_start3A_598 : memref<1x32x512xf32, #tpu.memory_space<vmem>> -> memref<32x512xf32, #tpu.memory_space<vmem>>
      %dma_start3A_600 = tpu.memref_slice %arg7[%multiple_of3A_594] : memref<2048xi32, #tpu.memory_space<vmem>> -> memref<32xi32, #tpu.memory_space<vmem>>
      %dma_start3A_601 = arith.constant 0 : i32
      %dma_start3A_602 = arith.constant 0 : i32
      %dma_start3A_603 = tpu.memref_slice %arg2[%dma_start3A_601, %dma_start3A_602] : memref<12288x512xf32, #tpu.memory_space<hbm>> -> memref<12288x512xf32, #tpu.memory_space<hbm>>
      tpu.enqueue_indirect_dma source(%dma_start3A_603 : memref<12288x512xf32, #tpu.memory_space<hbm>>) target(%dma_start3A_599 : memref<32x512xf32, #tpu.memory_space<vmem>>) offsets(%dma_start3A_600 : memref<32xi32, #tpu.memory_space<vmem>>) semaphore(%arg12 : memref<!tpu.dma_semaphore, #tpu.memory_space<semaphore_mem>>)
      %dma_wait3A_604 = arith.constant 2 : i32
      %dma_wait3A_605 = arith.constant 0 : i32
      %dma_wait3A_606 = arith.constant 0 : i32
      %dma_wait3A_607 = tpu.memref_slice %arg8[%dma_wait3A_604, %dma_wait3A_605, %dma_wait3A_606] : memref<4x32x512xf32, #tpu.memory_space<vmem>> -> memref<1x32x512xf32, #tpu.memory_space<vmem>>
      %dma_wait3A_608 = tpu.memref_squeeze %dma_wait3A_607 : memref<1x32x512xf32, #tpu.memory_space<vmem>> -> memref<32x512xf32, #tpu.memory_space<vmem>>
      %dma_wait3A_609 = arith.constant 0 : i32
      %dma_wait3A_610 = arith.constant 0 : i32
      %dma_wait3A_611 = tpu.memref_slice %arg2[%dma_wait3A_609, %dma_wait3A_610] : memref<12288x512xf32, #tpu.memory_space<hbm>> -> memref<32x512xf32, #tpu.memory_space<hbm>>
      %dma_wait3A_612 = arith.constant 0 : i32
      %dma_wait3A_613 = arith.constant 0 : i32
      %dma_wait3A_614 = tpu.memref_slice %arg8[%dma_wait3A_604, %dma_wait3A_612, %dma_wait3A_613] : memref<4x32x512xf32, #tpu.memory_space<vmem>> -> memref<1x32x512xf32, #tpu.memory_space<vmem>>
      %dma_wait3A_615 = tpu.memref_squeeze %dma_wait3A_614 : memref<1x32x512xf32, #tpu.memory_space<vmem>> -> memref<32x512xf32, #tpu.memory_space<vmem>>
      %dma_wait3A_616 = arith.constant 0 : i32
      %dma_wait3A_617 = arith.constant 0 : i32
      %dma_wait3A_618 = tpu.memref_slice %arg2[%dma_wait3A_616, %dma_wait3A_617] : memref<12288x512xf32, #tpu.memory_space<hbm>> -> memref<32x512xf32, #tpu.memory_space<hbm>>
      tpu.wait_dma2 semaphore(%arg11 : memref<!tpu.dma_semaphore, #tpu.memory_space<semaphore_mem>>) src(%dma_wait3A_618 : memref<32x512xf32, #tpu.memory_space<hbm>>) dst(%dma_wait3A_615 : memref<32x512xf32, #tpu.memory_space<vmem>>)
      %add3A_619 = arith.constant 2 : i32
      %add3A_620 = arith.addi %mul3A_473, %add3A_619 : i32
      %mul3A_621 = arith.constant 32 : i32
      %mul3A_622 = arith.muli %add3A_620, %mul3A_621 : i32
      %multiple_of3A_623 = tpu.assume_multiple %mul3A_622, 32 : i32
      %add3A_624 = arith.addi %mul3A_2, %multiple_of3A_623 : i32
      %dma_start3A_625 = arith.constant 2 : i32
      %dma_start3A_626 = arith.constant 0 : i32
      %dma_start3A_627 = arith.constant 0 : i32
      %dma_start3A_628 = tpu.memref_slice %arg8[%dma_start3A_625, %dma_start3A_626, %dma_start3A_627] : memref<4x32x512xf32, #tpu.memory_space<vmem>> -> memref<1x32x512xf32, #tpu.memory_space<vmem>>
      %dma_start3A_629 = tpu.memref_squeeze %dma_start3A_628 : memref<1x32x512xf32, #tpu.memory_space<vmem>> -> memref<32x512xf32, #tpu.memory_space<vmem>>
      %dma_start3A_630 = arith.constant 0 : i32
      %dma_start3A_631 = tpu.memref_slice %arg5[%add3A_624, %dma_start3A_630] : memref<65536x512xf32, #tpu.memory_space<hbm>> -> memref<32x512xf32, #tpu.memory_space<hbm>>
      %dma_start3A_632 = arith.constant 0 : i32
      %dma_start3A_633 = tpu.memref_slice %arg5[%add3A_624, %dma_start3A_632] : memref<65536x512xf32, #tpu.memory_space<hbm>> -> memref<32x512xf32, #tpu.memory_space<hbm>>
      %dma_start3A_634 = arith.constant 0 : i32
      %dma_start3A_635 = arith.constant 0 : i32
      %dma_start3A_636 = tpu.memref_slice %arg8[%dma_start3A_625, %dma_start3A_634, %dma_start3A_635] : memref<4x32x512xf32, #tpu.memory_space<vmem>> -> memref<1x32x512xf32, #tpu.memory_space<vmem>>
      %dma_start3A_637 = tpu.memref_squeeze %dma_start3A_636 : memref<1x32x512xf32, #tpu.memory_space<vmem>> -> memref<32x512xf32, #tpu.memory_space<vmem>>
      tpu.enqueue_dma source(%dma_start3A_637 : memref<32x512xf32, #tpu.memory_space<vmem>>) target(%dma_start3A_633 : memref<32x512xf32, #tpu.memory_space<hbm>>) target_semaphore(%arg15 : memref<!tpu.dma_semaphore, #tpu.memory_space<semaphore_mem>>)
      %dma_wait3A_638 = arith.constant 0 : i32
      %dma_wait3A_639 = arith.constant 0 : i32
      %dma_wait3A_640 = arith.constant 0 : i32
      %dma_wait3A_641 = tpu.memref_slice %arg8[%dma_wait3A_638, %dma_wait3A_639, %dma_wait3A_640] : memref<4x32x512xf32, #tpu.memory_space<vmem>> -> memref<1x32x512xf32, #tpu.memory_space<vmem>>
      %dma_wait3A_642 = tpu.memref_squeeze %dma_wait3A_641 : memref<1x32x512xf32, #tpu.memory_space<vmem>> -> memref<32x512xf32, #tpu.memory_space<vmem>>
      %dma_wait3A_643 = arith.constant 0 : i32
      %dma_wait3A_644 = arith.constant 0 : i32
      %dma_wait3A_645 = tpu.memref_slice %arg5[%dma_wait3A_643, %dma_wait3A_644] : memref<65536x512xf32, #tpu.memory_space<hbm>> -> memref<32x512xf32, #tpu.memory_space<hbm>>
      %dma_wait3A_646 = arith.constant 0 : i32
      %dma_wait3A_647 = arith.constant 0 : i32
      %dma_wait3A_648 = tpu.memref_slice %arg5[%dma_wait3A_646, %dma_wait3A_647] : memref<65536x512xf32, #tpu.memory_space<hbm>> -> memref<32x512xf32, #tpu.memory_space<hbm>>
      %dma_wait3A_649 = arith.constant 0 : i32
      %dma_wait3A_650 = arith.constant 0 : i32
      %dma_wait3A_651 = tpu.memref_slice %arg8[%dma_wait3A_638, %dma_wait3A_649, %dma_wait3A_650] : memref<4x32x512xf32, #tpu.memory_space<vmem>> -> memref<1x32x512xf32, #tpu.memory_space<vmem>>
      %dma_wait3A_652 = tpu.memref_squeeze %dma_wait3A_651 : memref<1x32x512xf32, #tpu.memory_space<vmem>> -> memref<32x512xf32, #tpu.memory_space<vmem>>
      tpu.wait_dma2 semaphore(%arg13 : memref<!tpu.dma_semaphore, #tpu.memory_space<semaphore_mem>>) src(%dma_wait3A_652 : memref<32x512xf32, #tpu.memory_space<vmem>>) dst(%dma_wait3A_648 : memref<32x512xf32, #tpu.memory_space<hbm>>)
      %add3A_653 = arith.constant 2 : i32
      %add3A_654 = arith.addi %mul3A_473, %add3A_653 : i32
      %add3A_655 = arith.constant 2 : i32
      %add3A_656 = arith.addi %add3A_654, %add3A_655 : i32
      %mul3A_657 = arith.constant 32 : i32
      %mul3A_658 = arith.muli %add3A_656, %mul3A_657 : i32
      %multiple_of3A_659 = tpu.assume_multiple %mul3A_658, 32 : i32
      %dma_start3A_660 = arith.constant 0 : i32
      %dma_start3A_661 = arith.constant 0 : i32
      %dma_start3A_662 = arith.constant 0 : i32
      %dma_start3A_663 = tpu.memref_slice %arg8[%dma_start3A_660, %dma_start3A_661, %dma_start3A_662] : memref<4x32x512xf32, #tpu.memory_space<vmem>> -> memref<1x32x512xf32, #tpu.memory_space<vmem>>
      %dma_start3A_664 = tpu.memref_squeeze %dma_start3A_663 : memref<1x32x512xf32, #tpu.memory_space<vmem>> -> memref<32x512xf32, #tpu.memory_space<vmem>>
      %dma_start3A_665 = tpu.memref_slice %arg7[%multiple_of3A_659] : memref<2048xi32, #tpu.memory_space<vmem>> -> memref<32xi32, #tpu.memory_space<vmem>>
      %dma_start3A_666 = arith.constant 0 : i32
      %dma_start3A_667 = arith.constant 0 : i32
      %dma_start3A_668 = tpu.memref_slice %arg2[%dma_start3A_666, %dma_start3A_667] : memref<12288x512xf32, #tpu.memory_space<hbm>> -> memref<12288x512xf32, #tpu.memory_space<hbm>>
      tpu.enqueue_indirect_dma source(%dma_start3A_668 : memref<12288x512xf32, #tpu.memory_space<hbm>>) target(%dma_start3A_664 : memref<32x512xf32, #tpu.memory_space<vmem>>) offsets(%dma_start3A_665 : memref<32xi32, #tpu.memory_space<vmem>>) semaphore(%arg9 : memref<!tpu.dma_semaphore, #tpu.memory_space<semaphore_mem>>)
      %dma_wait3A_669 = arith.constant 3 : i32
      %dma_wait3A_670 = arith.constant 0 : i32
      %dma_wait3A_671 = arith.constant 0 : i32
      %dma_wait3A_672 = tpu.memref_slice %arg8[%dma_wait3A_669, %dma_wait3A_670, %dma_wait3A_671] : memref<4x32x512xf32, #tpu.memory_space<vmem>> -> memref<1x32x512xf32, #tpu.memory_space<vmem>>
      %dma_wait3A_673 = tpu.memref_squeeze %dma_wait3A_672 : memref<1x32x512xf32, #tpu.memory_space<vmem>> -> memref<32x512xf32, #tpu.memory_space<vmem>>
      %dma_wait3A_674 = arith.constant 0 : i32
      %dma_wait3A_675 = arith.constant 0 : i32
      %dma_wait3A_676 = tpu.memref_slice %arg2[%dma_wait3A_674, %dma_wait3A_675] : memref<12288x512xf32, #tpu.memory_space<hbm>> -> memref<32x512xf32, #tpu.memory_space<hbm>>
      %dma_wait3A_677 = arith.constant 0 : i32
      %dma_wait3A_678 = arith.constant 0 : i32
      %dma_wait3A_679 = tpu.memref_slice %arg8[%dma_wait3A_669, %dma_wait3A_677, %dma_wait3A_678] : memref<4x32x512xf32, #tpu.memory_space<vmem>> -> memref<1x32x512xf32, #tpu.memory_space<vmem>>
      %dma_wait3A_680 = tpu.memref_squeeze %dma_wait3A_679 : memref<1x32x512xf32, #tpu.memory_space<vmem>> -> memref<32x512xf32, #tpu.memory_space<vmem>>
      %dma_wait3A_681 = arith.constant 0 : i32
      %dma_wait3A_682 = arith.constant 0 : i32
      %dma_wait3A_683 = tpu.memref_slice %arg2[%dma_wait3A_681, %dma_wait3A_682] : memref<12288x512xf32, #tpu.memory_space<hbm>> -> memref<32x512xf32, #tpu.memory_space<hbm>>
      tpu.wait_dma2 semaphore(%arg12 : memref<!tpu.dma_semaphore, #tpu.memory_space<semaphore_mem>>) src(%dma_wait3A_683 : memref<32x512xf32, #tpu.memory_space<hbm>>) dst(%dma_wait3A_680 : memref<32x512xf32, #tpu.memory_space<vmem>>)
      %add3A_684 = arith.constant 3 : i32
      %add3A_685 = arith.addi %mul3A_473, %add3A_684 : i32
      %mul3A_686 = arith.constant 32 : i32
      %mul3A_687 = arith.muli %add3A_685, %mul3A_686 : i32
      %multiple_of3A_688 = tpu.assume_multiple %mul3A_687, 32 : i32
      %add3A_689 = arith.addi %mul3A_2, %multiple_of3A_688 : i32
      %dma_start3A_690 = arith.constant 3 : i32
      %dma_start3A_691 = arith.constant 0 : i32
      %dma_start3A_692 = arith.constant 0 : i32
      %dma_start3A_693 = tpu.memref_slice %arg8[%dma_start3A_690, %dma_start3A_691, %dma_start3A_692] : memref<4x32x512xf32, #tpu.memory_space<vmem>> -> memref<1x32x512xf32, #tpu.memory_space<vmem>>
      %dma_start3A_694 = tpu.memref_squeeze %dma_start3A_693 : memref<1x32x512xf32, #tpu.memory_space<vmem>> -> memref<32x512xf32, #tpu.memory_space<vmem>>
      %dma_start3A_695 = arith.constant 0 : i32
      %dma_start3A_696 = tpu.memref_slice %arg5[%add3A_689, %dma_start3A_695] : memref<65536x512xf32, #tpu.memory_space<hbm>> -> memref<32x512xf32, #tpu.memory_space<hbm>>
      %dma_start3A_697 = arith.constant 0 : i32
      %dma_start3A_698 = tpu.memref_slice %arg5[%add3A_689, %dma_start3A_697] : memref<65536x512xf32, #tpu.memory_space<hbm>> -> memref<32x512xf32, #tpu.memory_space<hbm>>
      %dma_start3A_699 = arith.constant 0 : i32
      %dma_start3A_700 = arith.constant 0 : i32
      %dma_start3A_701 = tpu.memref_slice %arg8[%dma_start3A_690, %dma_start3A_699, %dma_start3A_700] : memref<4x32x512xf32, #tpu.memory_space<vmem>> -> memref<1x32x512xf32, #tpu.memory_space<vmem>>
      %dma_start3A_702 = tpu.memref_squeeze %dma_start3A_701 : memref<1x32x512xf32, #tpu.memory_space<vmem>> -> memref<32x512xf32, #tpu.memory_space<vmem>>
      tpu.enqueue_dma source(%dma_start3A_702 : memref<32x512xf32, #tpu.memory_space<vmem>>) target(%dma_start3A_698 : memref<32x512xf32, #tpu.memory_space<hbm>>) target_semaphore(%arg16 : memref<!tpu.dma_semaphore, #tpu.memory_space<semaphore_mem>>)
      %dma_wait3A_703 = arith.constant 1 : i32
      %dma_wait3A_704 = arith.constant 0 : i32
      %dma_wait3A_705 = arith.constant 0 : i32
      %dma_wait3A_706 = tpu.memref_slice %arg8[%dma_wait3A_703, %dma_wait3A_704, %dma_wait3A_705] : memref<4x32x512xf32, #tpu.memory_space<vmem>> -> memref<1x32x512xf32, #tpu.memory_space<vmem>>
      %dma_wait3A_707 = tpu.memref_squeeze %dma_wait3A_706 : memref<1x32x512xf32, #tpu.memory_space<vmem>> -> memref<32x512xf32, #tpu.memory_space<vmem>>
      %dma_wait3A_708 = arith.constant 0 : i32
      %dma_wait3A_709 = arith.constant 0 : i32
      %dma_wait3A_710 = tpu.memref_slice %arg5[%dma_wait3A_708, %dma_wait3A_709] : memref<65536x512xf32, #tpu.memory_space<hbm>> -> memref<32x512xf32, #tpu.memory_space<hbm>>
      %dma_wait3A_711 = arith.constant 0 : i32
      %dma_wait3A_712 = arith.constant 0 : i32
      %dma_wait3A_713 = tpu.memref_slice %arg5[%dma_wait3A_711, %dma_wait3A_712] : memref<65536x512xf32, #tpu.memory_space<hbm>> -> memref<32x512xf32, #tpu.memory_space<hbm>>
      %dma_wait3A_714 = arith.constant 0 : i32
      %dma_wait3A_715 = arith.constant 0 : i32
      %dma_wait3A_716 = tpu.memref_slice %arg8[%dma_wait3A_703, %dma_wait3A_714, %dma_wait3A_715] : memref<4x32x512xf32, #tpu.memory_space<vmem>> -> memref<1x32x512xf32, #tpu.memory_space<vmem>>
      %dma_wait3A_717 = tpu.memref_squeeze %dma_wait3A_716 : memref<1x32x512xf32, #tpu.memory_space<vmem>> -> memref<32x512xf32, #tpu.memory_space<vmem>>
      tpu.wait_dma2 semaphore(%arg14 : memref<!tpu.dma_semaphore, #tpu.memory_space<semaphore_mem>>) src(%dma_wait3A_717 : memref<32x512xf32, #tpu.memory_space<vmem>>) dst(%dma_wait3A_713 : memref<32x512xf32, #tpu.memory_space<hbm>>)
      %add3A_718 = arith.constant 3 : i32
      %add3A_719 = arith.addi %mul3A_473, %add3A_718 : i32
      %add3A_720 = arith.constant 2 : i32
      %add3A_721 = arith.addi %add3A_719, %add3A_720 : i32
      %mul3A_722 = arith.constant 32 : i32
      %mul3A_723 = arith.muli %add3A_721, %mul3A_722 : i32
      %multiple_of3A_724 = tpu.assume_multiple %mul3A_723, 32 : i32
      %dma_start3A_725 = arith.constant 1 : i32
      %dma_start3A_726 = arith.constant 0 : i32
      %dma_start3A_727 = arith.constant 0 : i32
      %dma_start3A_728 = tpu.memref_slice %arg8[%dma_start3A_725, %dma_start3A_726, %dma_start3A_727] : memref<4x32x512xf32, #tpu.memory_space<vmem>> -> memref<1x32x512xf32, #tpu.memory_space<vmem>>
      %dma_start3A_729 = tpu.memref_squeeze %dma_start3A_728 : memref<1x32x512xf32, #tpu.memory_space<vmem>> -> memref<32x512xf32, #tpu.memory_space<vmem>>
      %dma_start3A_730 = tpu.memref_slice %arg7[%multiple_of3A_724] : memref<2048xi32, #tpu.memory_space<vmem>> -> memref<32xi32, #tpu.memory_space<vmem>>
      %dma_start3A_731 = arith.constant 0 : i32
      %dma_start3A_732 = arith.constant 0 : i32
      %dma_start3A_733 = tpu.memref_slice %arg2[%dma_start3A_731, %dma_start3A_732] : memref<12288x512xf32, #tpu.memory_space<hbm>> -> memref<12288x512xf32, #tpu.memory_space<hbm>>
      tpu.enqueue_indirect_dma source(%dma_start3A_733 : memref<12288x512xf32, #tpu.memory_space<hbm>>) target(%dma_start3A_729 : memref<32x512xf32, #tpu.memory_space<vmem>>) offsets(%dma_start3A_730 : memref<32xi32, #tpu.memory_space<vmem>>) semaphore(%arg10 : memref<!tpu.dma_semaphore, #tpu.memory_space<semaphore_mem>>)
    }
    %scan3A_230 = arith.constant 14 : i32
    %dma_wait3A_231 = arith.constant 0 : i32
    %dma_wait3A_232 = arith.constant 0 : i32
    %dma_wait3A_233 = arith.constant 0 : i32
    %dma_wait3A_234 = tpu.memref_slice %arg8[%dma_wait3A_231, %dma_wait3A_232, %dma_wait3A_233] : memref<4x32x512xf32, #tpu.memory_space<vmem>> -> memref<1x32x512xf32, #tpu.memory_space<vmem>>
    %dma_wait3A_235 = tpu.memref_squeeze %dma_wait3A_234 : memref<1x32x512xf32, #tpu.memory_space<vmem>> -> memref<32x512xf32, #tpu.memory_space<vmem>>
    %dma_wait3A_236 = arith.constant 0 : i32
    %dma_wait3A_237 = arith.constant 0 : i32
    %dma_wait3A_238 = tpu.memref_slice %arg2[%dma_wait3A_236, %dma_wait3A_237] : memref<12288x512xf32, #tpu.memory_space<hbm>> -> memref<32x512xf32, #tpu.memory_space<hbm>>
    %dma_wait3A_239 = arith.constant 0 : i32
    %dma_wait3A_240 = arith.constant 0 : i32
    %dma_wait3A_241 = tpu.memref_slice %arg8[%dma_wait3A_231, %dma_wait3A_239, %dma_wait3A_240] : memref<4x32x512xf32, #tpu.memory_space<vmem>> -> memref<1x32x512xf32, #tpu.memory_space<vmem>>
    %dma_wait3A_242 = tpu.memref_squeeze %dma_wait3A_241 : memref<1x32x512xf32, #tpu.memory_space<vmem>> -> memref<32x512xf32, #tpu.memory_space<vmem>>
    %dma_wait3A_243 = arith.constant 0 : i32
    %dma_wait3A_244 = arith.constant 0 : i32
    %dma_wait3A_245 = tpu.memref_slice %arg2[%dma_wait3A_243, %dma_wait3A_244] : memref<12288x512xf32, #tpu.memory_space<hbm>> -> memref<32x512xf32, #tpu.memory_space<hbm>>
    tpu.wait_dma2 semaphore(%arg9 : memref<!tpu.dma_semaphore, #tpu.memory_space<semaphore_mem>>) src(%dma_wait3A_245 : memref<32x512xf32, #tpu.memory_space<hbm>>) dst(%dma_wait3A_242 : memref<32x512xf32, #tpu.memory_space<vmem>>)
    %multiple_of3A_246 = arith.constant 1920 : i32
    %multiple_of3A_247 = tpu.assume_multiple %multiple_of3A_246, 32 : i32
    %add3A_248 = arith.addi %mul3A_2, %multiple_of3A_247 : i32
    %dma_start3A_249 = arith.constant 0 : i32
    %dma_start3A_250 = arith.constant 0 : i32
    %dma_start3A_251 = arith.constant 0 : i32
    %dma_start3A_252 = tpu.memref_slice %arg8[%dma_start3A_249, %dma_start3A_250, %dma_start3A_251] : memref<4x32x512xf32, #tpu.memory_space<vmem>> -> memref<1x32x512xf32, #tpu.memory_space<vmem>>
    %dma_start3A_253 = tpu.memref_squeeze %dma_start3A_252 : memref<1x32x512xf32, #tpu.memory_space<vmem>> -> memref<32x512xf32, #tpu.memory_space<vmem>>
    %dma_start3A_254 = arith.constant 0 : i32
    %dma_start3A_255 = tpu.memref_slice %arg5[%add3A_248, %dma_start3A_254] : memref<65536x512xf32, #tpu.memory_space<hbm>> -> memref<32x512xf32, #tpu.memory_space<hbm>>
    %dma_start3A_256 = arith.constant 0 : i32
    %dma_start3A_257 = tpu.memref_slice %arg5[%add3A_248, %dma_start3A_256] : memref<65536x512xf32, #tpu.memory_space<hbm>> -> memref<32x512xf32, #tpu.memory_space<hbm>>
    %dma_start3A_258 = arith.constant 0 : i32
    %dma_start3A_259 = arith.constant 0 : i32
    %dma_start3A_260 = tpu.memref_slice %arg8[%dma_start3A_249, %dma_start3A_258, %dma_start3A_259] : memref<4x32x512xf32, #tpu.memory_space<vmem>> -> memref<1x32x512xf32, #tpu.memory_space<vmem>>
    %dma_start3A_261 = tpu.memref_squeeze %dma_start3A_260 : memref<1x32x512xf32, #tpu.memory_space<vmem>> -> memref<32x512xf32, #tpu.memory_space<vmem>>
    tpu.enqueue_dma source(%dma_start3A_261 : memref<32x512xf32, #tpu.memory_space<vmem>>) target(%dma_start3A_257 : memref<32x512xf32, #tpu.memory_space<hbm>>) target_semaphore(%arg13 : memref<!tpu.dma_semaphore, #tpu.memory_space<semaphore_mem>>)
    %dma_wait3A_262 = arith.constant 2 : i32
    %dma_wait3A_263 = arith.constant 0 : i32
    %dma_wait3A_264 = arith.constant 0 : i32
    %dma_wait3A_265 = tpu.memref_slice %arg8[%dma_wait3A_262, %dma_wait3A_263, %dma_wait3A_264] : memref<4x32x512xf32, #tpu.memory_space<vmem>> -> memref<1x32x512xf32, #tpu.memory_space<vmem>>
    %dma_wait3A_266 = tpu.memref_squeeze %dma_wait3A_265 : memref<1x32x512xf32, #tpu.memory_space<vmem>> -> memref<32x512xf32, #tpu.memory_space<vmem>>
    %dma_wait3A_267 = arith.constant 0 : i32
    %dma_wait3A_268 = arith.constant 0 : i32
    %dma_wait3A_269 = tpu.memref_slice %arg5[%dma_wait3A_267, %dma_wait3A_268] : memref<65536x512xf32, #tpu.memory_space<hbm>> -> memref<32x512xf32, #tpu.memory_space<hbm>>
    %dma_wait3A_270 = arith.constant 0 : i32
    %dma_wait3A_271 = arith.constant 0 : i32
    %dma_wait3A_272 = tpu.memref_slice %arg5[%dma_wait3A_270, %dma_wait3A_271] : memref<65536x512xf32, #tpu.memory_space<hbm>> -> memref<32x512xf32, #tpu.memory_space<hbm>>
    %dma_wait3A_273 = arith.constant 0 : i32
    %dma_wait3A_274 = arith.constant 0 : i32
    %dma_wait3A_275 = tpu.memref_slice %arg8[%dma_wait3A_262, %dma_wait3A_273, %dma_wait3A_274] : memref<4x32x512xf32, #tpu.memory_space<vmem>> -> memref<1x32x512xf32, #tpu.memory_space<vmem>>
    %dma_wait3A_276 = tpu.memref_squeeze %dma_wait3A_275 : memref<1x32x512xf32, #tpu.memory_space<vmem>> -> memref<32x512xf32, #tpu.memory_space<vmem>>
    tpu.wait_dma2 semaphore(%arg15 : memref<!tpu.dma_semaphore, #tpu.memory_space<semaphore_mem>>) src(%dma_wait3A_276 : memref<32x512xf32, #tpu.memory_space<vmem>>) dst(%dma_wait3A_272 : memref<32x512xf32, #tpu.memory_space<hbm>>)
    %multiple_of3A_277 = arith.constant 1984 : i32
    %multiple_of3A_278 = tpu.assume_multiple %multiple_of3A_277, 32 : i32
    %dma_start3A_279 = arith.constant 2 : i32
    %dma_start3A_280 = arith.constant 0 : i32
    %dma_start3A_281 = arith.constant 0 : i32
    %dma_start3A_282 = tpu.memref_slice %arg8[%dma_start3A_279, %dma_start3A_280, %dma_start3A_281] : memref<4x32x512xf32, #tpu.memory_space<vmem>> -> memref<1x32x512xf32, #tpu.memory_space<vmem>>
    %dma_start3A_283 = tpu.memref_squeeze %dma_start3A_282 : memref<1x32x512xf32, #tpu.memory_space<vmem>> -> memref<32x512xf32, #tpu.memory_space<vmem>>
    %dma_start3A_284 = tpu.memref_slice %arg7[%multiple_of3A_278] : memref<2048xi32, #tpu.memory_space<vmem>> -> memref<32xi32, #tpu.memory_space<vmem>>
    %dma_start3A_285 = arith.constant 0 : i32
    %dma_start3A_286 = arith.constant 0 : i32
    %dma_start3A_287 = tpu.memref_slice %arg2[%dma_start3A_285, %dma_start3A_286] : memref<12288x512xf32, #tpu.memory_space<hbm>> -> memref<12288x512xf32, #tpu.memory_space<hbm>>
    tpu.enqueue_indirect_dma source(%dma_start3A_287 : memref<12288x512xf32, #tpu.memory_space<hbm>>) target(%dma_start3A_283 : memref<32x512xf32, #tpu.memory_space<vmem>>) offsets(%dma_start3A_284 : memref<32xi32, #tpu.memory_space<vmem>>) semaphore(%arg11 : memref<!tpu.dma_semaphore, #tpu.memory_space<semaphore_mem>>)
    %dma_wait3A_288 = arith.constant 1 : i32
    %dma_wait3A_289 = arith.constant 0 : i32
    %dma_wait3A_290 = arith.constant 0 : i32
    %dma_wait3A_291 = tpu.memref_slice %arg8[%dma_wait3A_288, %dma_wait3A_289, %dma_wait3A_290] : memref<4x32x512xf32, #tpu.memory_space<vmem>> -> memref<1x32x512xf32, #tpu.memory_space<vmem>>
    %dma_wait3A_292 = tpu.memref_squeeze %dma_wait3A_291 : memref<1x32x512xf32, #tpu.memory_space<vmem>> -> memref<32x512xf32, #tpu.memory_space<vmem>>
    %dma_wait3A_293 = arith.constant 0 : i32
    %dma_wait3A_294 = arith.constant 0 : i32
    %dma_wait3A_295 = tpu.memref_slice %arg2[%dma_wait3A_293, %dma_wait3A_294] : memref<12288x512xf32, #tpu.memory_space<hbm>> -> memref<32x512xf32, #tpu.memory_space<hbm>>
    %dma_wait3A_296 = arith.constant 0 : i32
    %dma_wait3A_297 = arith.constant 0 : i32
    %dma_wait3A_298 = tpu.memref_slice %arg8[%dma_wait3A_288, %dma_wait3A_296, %dma_wait3A_297] : memref<4x32x512xf32, #tpu.memory_space<vmem>> -> memref<1x32x512xf32, #tpu.memory_space<vmem>>
    %dma_wait3A_299 = tpu.memref_squeeze %dma_wait3A_298 : memref<1x32x512xf32, #tpu.memory_space<vmem>> -> memref<32x512xf32, #tpu.memory_space<vmem>>
    %dma_wait3A_300 = arith.constant 0 : i32
    %dma_wait3A_301 = arith.constant 0 : i32
    %dma_wait3A_302 = tpu.memref_slice %arg2[%dma_wait3A_300, %dma_wait3A_301] : memref<12288x512xf32, #tpu.memory_space<hbm>> -> memref<32x512xf32, #tpu.memory_space<hbm>>
    tpu.wait_dma2 semaphore(%arg10 : memref<!tpu.dma_semaphore, #tpu.memory_space<semaphore_mem>>) src(%dma_wait3A_302 : memref<32x512xf32, #tpu.memory_space<hbm>>) dst(%dma_wait3A_299 : memref<32x512xf32, #tpu.memory_space<vmem>>)
    %multiple_of3A_303 = arith.constant 1952 : i32
    %multiple_of3A_304 = tpu.assume_multiple %multiple_of3A_303, 32 : i32
    %add3A_305 = arith.addi %mul3A_2, %multiple_of3A_304 : i32
    %dma_start3A_306 = arith.constant 1 : i32
    %dma_start3A_307 = arith.constant 0 : i32
    %dma_start3A_308 = arith.constant 0 : i32
    %dma_start3A_309 = tpu.memref_slice %arg8[%dma_start3A_306, %dma_start3A_307, %dma_start3A_308] : memref<4x32x512xf32, #tpu.memory_space<vmem>> -> memref<1x32x512xf32, #tpu.memory_space<vmem>>
    %dma_start3A_310 = tpu.memref_squeeze %dma_start3A_309 : memref<1x32x512xf32, #tpu.memory_space<vmem>> -> memref<32x512xf32, #tpu.memory_space<vmem>>
    %dma_start3A_311 = arith.constant 0 : i32
    %dma_start3A_312 = tpu.memref_slice %arg5[%add3A_305, %dma_start3A_311] : memref<65536x512xf32, #tpu.memory_space<hbm>> -> memref<32x512xf32, #tpu.memory_space<hbm>>
    %dma_start3A_313 = arith.constant 0 : i32
    %dma_start3A_314 = tpu.memref_slice %arg5[%add3A_305, %dma_start3A_313] : memref<65536x512xf32, #tpu.memory_space<hbm>> -> memref<32x512xf32, #tpu.memory_space<hbm>>
    %dma_start3A_315 = arith.constant 0 : i32
    %dma_start3A_316 = arith.constant 0 : i32
    %dma_start3A_317 = tpu.memref_slice %arg8[%dma_start3A_306, %dma_start3A_315, %dma_start3A_316] : memref<4x32x512xf32, #tpu.memory_space<vmem>> -> memref<1x32x512xf32, #tpu.memory_space<vmem>>
    %dma_start3A_318 = tpu.memref_squeeze %dma_start3A_317 : memref<1x32x512xf32, #tpu.memory_space<vmem>> -> memref<32x512xf32, #tpu.memory_space<vmem>>
    tpu.enqueue_dma source(%dma_start3A_318 : memref<32x512xf32, #tpu.memory_space<vmem>>) target(%dma_start3A_314 : memref<32x512xf32, #tpu.memory_space<hbm>>) target_semaphore(%arg14 : memref<!tpu.dma_semaphore, #tpu.memory_space<semaphore_mem>>)
    %dma_wait3A_319 = arith.constant 3 : i32
    %dma_wait3A_320 = arith.constant 0 : i32
    %dma_wait3A_321 = arith.constant 0 : i32
    %dma_wait3A_322 = tpu.memref_slice %arg8[%dma_wait3A_319, %dma_wait3A_320, %dma_wait3A_321] : memref<4x32x512xf32, #tpu.memory_space<vmem>> -> memref<1x32x512xf32, #tpu.memory_space<vmem>>
    %dma_wait3A_323 = tpu.memref_squeeze %dma_wait3A_322 : memref<1x32x512xf32, #tpu.memory_space<vmem>> -> memref<32x512xf32, #tpu.memory_space<vmem>>
    %dma_wait3A_324 = arith.constant 0 : i32
    %dma_wait3A_325 = arith.constant 0 : i32
    %dma_wait3A_326 = tpu.memref_slice %arg5[%dma_wait3A_324, %dma_wait3A_325] : memref<65536x512xf32, #tpu.memory_space<hbm>> -> memref<32x512xf32, #tpu.memory_space<hbm>>
    %dma_wait3A_327 = arith.constant 0 : i32
    %dma_wait3A_328 = arith.constant 0 : i32
    %dma_wait3A_329 = tpu.memref_slice %arg5[%dma_wait3A_327, %dma_wait3A_328] : memref<65536x512xf32, #tpu.memory_space<hbm>> -> memref<32x512xf32, #tpu.memory_space<hbm>>
    %dma_wait3A_330 = arith.constant 0 : i32
    %dma_wait3A_331 = arith.constant 0 : i32
    %dma_wait3A_332 = tpu.memref_slice %arg8[%dma_wait3A_319, %dma_wait3A_330, %dma_wait3A_331] : memref<4x32x512xf32, #tpu.memory_space<vmem>> -> memref<1x32x512xf32, #tpu.memory_space<vmem>>
    %dma_wait3A_333 = tpu.memref_squeeze %dma_wait3A_332 : memref<1x32x512xf32, #tpu.memory_space<vmem>> -> memref<32x512xf32, #tpu.memory_space<vmem>>
    tpu.wait_dma2 semaphore(%arg16 : memref<!tpu.dma_semaphore, #tpu.memory_space<semaphore_mem>>) src(%dma_wait3A_333 : memref<32x512xf32, #tpu.memory_space<vmem>>) dst(%dma_wait3A_329 : memref<32x512xf32, #tpu.memory_space<hbm>>)
    %multiple_of3A_334 = arith.constant 2016 : i32
    %multiple_of3A_335 = tpu.assume_multiple %multiple_of3A_334, 32 : i32
    %dma_start3A_336 = arith.constant 3 : i32
    %dma_start3A_337 = arith.constant 0 : i32
    %dma_start3A_338 = arith.constant 0 : i32
    %dma_start3A_339 = tpu.memref_slice %arg8[%dma_start3A_336, %dma_start3A_337, %dma_start3A_338] : memref<4x32x512xf32, #tpu.memory_space<vmem>> -> memref<1x32x512xf32, #tpu.memory_space<vmem>>
    %dma_start3A_340 = tpu.memref_squeeze %dma_start3A_339 : memref<1x32x512xf32, #tpu.memory_space<vmem>> -> memref<32x512xf32, #tpu.memory_space<vmem>>
    %dma_start3A_341 = tpu.memref_slice %arg7[%multiple_of3A_335] : memref<2048xi32, #tpu.memory_space<vmem>> -> memref<32xi32, #tpu.memory_space<vmem>>
    %dma_start3A_342 = arith.constant 0 : i32
    %dma_start3A_343 = arith.constant 0 : i32
    %dma_start3A_344 = tpu.memref_slice %arg2[%dma_start3A_342, %dma_start3A_343] : memref<12288x512xf32, #tpu.memory_space<hbm>> -> memref<12288x512xf32, #tpu.memory_space<hbm>>
    tpu.enqueue_indirect_dma source(%dma_start3A_344 : memref<12288x512xf32, #tpu.memory_space<hbm>>) target(%dma_start3A_340 : memref<32x512xf32, #tpu.memory_space<vmem>>) offsets(%dma_start3A_341 : memref<32xi32, #tpu.memory_space<vmem>>) semaphore(%arg12 : memref<!tpu.dma_semaphore, #tpu.memory_space<semaphore_mem>>)
    %dma_wait3A_345 = arith.constant 2 : i32
    %dma_wait3A_346 = arith.constant 0 : i32
    %dma_wait3A_347 = arith.constant 0 : i32
    %dma_wait3A_348 = tpu.memref_slice %arg8[%dma_wait3A_345, %dma_wait3A_346, %dma_wait3A_347] : memref<4x32x512xf32, #tpu.memory_space<vmem>> -> memref<1x32x512xf32, #tpu.memory_space<vmem>>
    %dma_wait3A_349 = tpu.memref_squeeze %dma_wait3A_348 : memref<1x32x512xf32, #tpu.memory_space<vmem>> -> memref<32x512xf32, #tpu.memory_space<vmem>>
    %dma_wait3A_350 = arith.constant 0 : i32
    %dma_wait3A_351 = arith.constant 0 : i32
    %dma_wait3A_352 = tpu.memref_slice %arg2[%dma_wait3A_350, %dma_wait3A_351] : memref<12288x512xf32, #tpu.memory_space<hbm>> -> memref<32x512xf32, #tpu.memory_space<hbm>>
    %dma_wait3A_353 = arith.constant 0 : i32
    %dma_wait3A_354 = arith.constant 0 : i32
    %dma_wait3A_355 = tpu.memref_slice %arg8[%dma_wait3A_345, %dma_wait3A_353, %dma_wait3A_354] : memref<4x32x512xf32, #tpu.memory_space<vmem>> -> memref<1x32x512xf32, #tpu.memory_space<vmem>>
    %dma_wait3A_356 = tpu.memref_squeeze %dma_wait3A_355 : memref<1x32x512xf32, #tpu.memory_space<vmem>> -> memref<32x512xf32, #tpu.memory_space<vmem>>
    %dma_wait3A_357 = arith.constant 0 : i32
    %dma_wait3A_358 = arith.constant 0 : i32
    %dma_wait3A_359 = tpu.memref_slice %arg2[%dma_wait3A_357, %dma_wait3A_358] : memref<12288x512xf32, #tpu.memory_space<hbm>> -> memref<32x512xf32, #tpu.memory_space<hbm>>
    tpu.wait_dma2 semaphore(%arg11 : memref<!tpu.dma_semaphore, #tpu.memory_space<semaphore_mem>>) src(%dma_wait3A_359 : memref<32x512xf32, #tpu.memory_space<hbm>>) dst(%dma_wait3A_356 : memref<32x512xf32, #tpu.memory_space<vmem>>)
    %multiple_of3A_360 = arith.constant 1984 : i32
    %multiple_of3A_361 = tpu.assume_multiple %multiple_of3A_360, 32 : i32
    %add3A_362 = arith.addi %mul3A_2, %multiple_of3A_361 : i32
    %dma_start3A_363 = arith.constant 2 : i32
    %dma_start3A_364 = arith.constant 0 : i32
    %dma_start3A_365 = arith.constant 0 : i32
    %dma_start3A_366 = tpu.memref_slice %arg8[%dma_start3A_363, %dma_start3A_364, %dma_start3A_365] : memref<4x32x512xf32, #tpu.memory_space<vmem>> -> memref<1x32x512xf32, #tpu.memory_space<vmem>>
    %dma_start3A_367 = tpu.memref_squeeze %dma_start3A_366 : memref<1x32x512xf32, #tpu.memory_space<vmem>> -> memref<32x512xf32, #tpu.memory_space<vmem>>
    %dma_start3A_368 = arith.constant 0 : i32
    %dma_start3A_369 = tpu.memref_slice %arg5[%add3A_362, %dma_start3A_368] : memref<65536x512xf32, #tpu.memory_space<hbm>> -> memref<32x512xf32, #tpu.memory_space<hbm>>
    %dma_start3A_370 = arith.constant 0 : i32
    %dma_start3A_371 = tpu.memref_slice %arg5[%add3A_362, %dma_start3A_370] : memref<65536x512xf32, #tpu.memory_space<hbm>> -> memref<32x512xf32, #tpu.memory_space<hbm>>
    %dma_start3A_372 = arith.constant 0 : i32
    %dma_start3A_373 = arith.constant 0 : i32
    %dma_start3A_374 = tpu.memref_slice %arg8[%dma_start3A_363, %dma_start3A_372, %dma_start3A_373] : memref<4x32x512xf32, #tpu.memory_space<vmem>> -> memref<1x32x512xf32, #tpu.memory_space<vmem>>
    %dma_start3A_375 = tpu.memref_squeeze %dma_start3A_374 : memref<1x32x512xf32, #tpu.memory_space<vmem>> -> memref<32x512xf32, #tpu.memory_space<vmem>>
    tpu.enqueue_dma source(%dma_start3A_375 : memref<32x512xf32, #tpu.memory_space<vmem>>) target(%dma_start3A_371 : memref<32x512xf32, #tpu.memory_space<hbm>>) target_semaphore(%arg15 : memref<!tpu.dma_semaphore, #tpu.memory_space<semaphore_mem>>)
    %dma_wait3A_376 = arith.constant 3 : i32
    %dma_wait3A_377 = arith.constant 0 : i32
    %dma_wait3A_378 = arith.constant 0 : i32
    %dma_wait3A_379 = tpu.memref_slice %arg8[%dma_wait3A_376, %dma_wait3A_377, %dma_wait3A_378] : memref<4x32x512xf32, #tpu.memory_space<vmem>> -> memref<1x32x512xf32, #tpu.memory_space<vmem>>
    %dma_wait3A_380 = tpu.memref_squeeze %dma_wait3A_379 : memref<1x32x512xf32, #tpu.memory_space<vmem>> -> memref<32x512xf32, #tpu.memory_space<vmem>>
    %dma_wait3A_381 = arith.constant 0 : i32
    %dma_wait3A_382 = arith.constant 0 : i32
    %dma_wait3A_383 = tpu.memref_slice %arg2[%dma_wait3A_381, %dma_wait3A_382] : memref<12288x512xf32, #tpu.memory_space<hbm>> -> memref<32x512xf32, #tpu.memory_space<hbm>>
    %dma_wait3A_384 = arith.constant 0 : i32
    %dma_wait3A_385 = arith.constant 0 : i32
    %dma_wait3A_386 = tpu.memref_slice %arg8[%dma_wait3A_376, %dma_wait3A_384, %dma_wait3A_385] : memref<4x32x512xf32, #tpu.memory_space<vmem>> -> memref<1x32x512xf32, #tpu.memory_space<vmem>>
    %dma_wait3A_387 = tpu.memref_squeeze %dma_wait3A_386 : memref<1x32x512xf32, #tpu.memory_space<vmem>> -> memref<32x512xf32, #tpu.memory_space<vmem>>
    %dma_wait3A_388 = arith.constant 0 : i32
    %dma_wait3A_389 = arith.constant 0 : i32
    %dma_wait3A_390 = tpu.memref_slice %arg2[%dma_wait3A_388, %dma_wait3A_389] : memref<12288x512xf32, #tpu.memory_space<hbm>> -> memref<32x512xf32, #tpu.memory_space<hbm>>
    tpu.wait_dma2 semaphore(%arg12 : memref<!tpu.dma_semaphore, #tpu.memory_space<semaphore_mem>>) src(%dma_wait3A_390 : memref<32x512xf32, #tpu.memory_space<hbm>>) dst(%dma_wait3A_387 : memref<32x512xf32, #tpu.memory_space<vmem>>)
    %multiple_of3A_391 = arith.constant 2016 : i32
    %multiple_of3A_392 = tpu.assume_multiple %multiple_of3A_391, 32 : i32
    %add3A_393 = arith.addi %mul3A_2, %multiple_of3A_392 : i32
    %dma_start3A_394 = arith.constant 3 : i32
    %dma_start3A_395 = arith.constant 0 : i32
    %dma_start3A_396 = arith.constant 0 : i32
    %dma_start3A_397 = tpu.memref_slice %arg8[%dma_start3A_394, %dma_start3A_395, %dma_start3A_396] : memref<4x32x512xf32, #tpu.memory_space<vmem>> -> memref<1x32x512xf32, #tpu.memory_space<vmem>>
    %dma_start3A_398 = tpu.memref_squeeze %dma_start3A_397 : memref<1x32x512xf32, #tpu.memory_space<vmem>> -> memref<32x512xf32, #tpu.memory_space<vmem>>
    %dma_start3A_399 = arith.constant 0 : i32
    %dma_start3A_400 = tpu.memref_slice %arg5[%add3A_393, %dma_start3A_399] : memref<65536x512xf32, #tpu.memory_space<hbm>> -> memref<32x512xf32, #tpu.memory_space<hbm>>
    %dma_start3A_401 = arith.constant 0 : i32
    %dma_start3A_402 = tpu.memref_slice %arg5[%add3A_393, %dma_start3A_401] : memref<65536x512xf32, #tpu.memory_space<hbm>> -> memref<32x512xf32, #tpu.memory_space<hbm>>
    %dma_start3A_403 = arith.constant 0 : i32
    %dma_start3A_404 = arith.constant 0 : i32
    %dma_start3A_405 = tpu.memref_slice %arg8[%dma_start3A_394, %dma_start3A_403, %dma_start3A_404] : memref<4x32x512xf32, #tpu.memory_space<vmem>> -> memref<1x32x512xf32, #tpu.memory_space<vmem>>
    %dma_start3A_406 = tpu.memref_squeeze %dma_start3A_405 : memref<1x32x512xf32, #tpu.memory_space<vmem>> -> memref<32x512xf32, #tpu.memory_space<vmem>>
    tpu.enqueue_dma source(%dma_start3A_406 : memref<32x512xf32, #tpu.memory_space<vmem>>) target(%dma_start3A_402 : memref<32x512xf32, #tpu.memory_space<hbm>>) target_semaphore(%arg16 : memref<!tpu.dma_semaphore, #tpu.memory_space<semaphore_mem>>)
    %dma_wait3A_407 = arith.constant 0 : i32
    %dma_wait3A_408 = arith.constant 0 : i32
    %dma_wait3A_409 = arith.constant 0 : i32
    %dma_wait3A_410 = tpu.memref_slice %arg8[%dma_wait3A_407, %dma_wait3A_408, %dma_wait3A_409] : memref<4x32x512xf32, #tpu.memory_space<vmem>> -> memref<1x32x512xf32, #tpu.memory_space<vmem>>
    %dma_wait3A_411 = tpu.memref_squeeze %dma_wait3A_410 : memref<1x32x512xf32, #tpu.memory_space<vmem>> -> memref<32x512xf32, #tpu.memory_space<vmem>>
    %dma_wait3A_412 = arith.constant 0 : i32
    %dma_wait3A_413 = arith.constant 0 : i32
    %dma_wait3A_414 = tpu.memref_slice %arg5[%dma_wait3A_412, %dma_wait3A_413] : memref<65536x512xf32, #tpu.memory_space<hbm>> -> memref<32x512xf32, #tpu.memory_space<hbm>>
    %dma_wait3A_415 = arith.constant 0 : i32
    %dma_wait3A_416 = arith.constant 0 : i32
    %dma_wait3A_417 = tpu.memref_slice %arg5[%dma_wait3A_415, %dma_wait3A_416] : memref<65536x512xf32, #tpu.memory_space<hbm>> -> memref<32x512xf32, #tpu.memory_space<hbm>>
    %dma_wait3A_418 = arith.constant 0 : i32
    %dma_wait3A_419 = arith.constant 0 : i32
    %dma_wait3A_420 = tpu.memref_slice %arg8[%dma_wait3A_407, %dma_wait3A_418, %dma_wait3A_419] : memref<4x32x512xf32, #tpu.memory_space<vmem>> -> memref<1x32x512xf32, #tpu.memory_space<vmem>>
    %dma_wait3A_421 = tpu.memref_squeeze %dma_wait3A_420 : memref<1x32x512xf32, #tpu.memory_space<vmem>> -> memref<32x512xf32, #tpu.memory_space<vmem>>
    tpu.wait_dma2 semaphore(%arg13 : memref<!tpu.dma_semaphore, #tpu.memory_space<semaphore_mem>>) src(%dma_wait3A_421 : memref<32x512xf32, #tpu.memory_space<vmem>>) dst(%dma_wait3A_417 : memref<32x512xf32, #tpu.memory_space<hbm>>)
    %dma_wait3A_422 = arith.constant 1 : i32
    %dma_wait3A_423 = arith.constant 0 : i32
    %dma_wait3A_424 = arith.constant 0 : i32
    %dma_wait3A_425 = tpu.memref_slice %arg8[%dma_wait3A_422, %dma_wait3A_423, %dma_wait3A_424] : memref<4x32x512xf32, #tpu.memory_space<vmem>> -> memref<1x32x512xf32, #tpu.memory_space<vmem>>
    %dma_wait3A_426 = tpu.memref_squeeze %dma_wait3A_425 : memref<1x32x512xf32, #tpu.memory_space<vmem>> -> memref<32x512xf32, #tpu.memory_space<vmem>>
    %dma_wait3A_427 = arith.constant 0 : i32
    %dma_wait3A_428 = arith.constant 0 : i32
    %dma_wait3A_429 = tpu.memref_slice %arg5[%dma_wait3A_427, %dma_wait3A_428] : memref<65536x512xf32, #tpu.memory_space<hbm>> -> memref<32x512xf32, #tpu.memory_space<hbm>>
    %dma_wait3A_430 = arith.constant 0 : i32
    %dma_wait3A_431 = arith.constant 0 : i32
    %dma_wait3A_432 = tpu.memref_slice %arg5[%dma_wait3A_430, %dma_wait3A_431] : memref<65536x512xf32, #tpu.memory_space<hbm>> -> memref<32x512xf32, #tpu.memory_space<hbm>>
    %dma_wait3A_433 = arith.constant 0 : i32
    %dma_wait3A_434 = arith.constant 0 : i32
    %dma_wait3A_435 = tpu.memref_slice %arg8[%dma_wait3A_422, %dma_wait3A_433, %dma_wait3A_434] : memref<4x32x512xf32, #tpu.memory_space<vmem>> -> memref<1x32x512xf32, #tpu.memory_space<vmem>>
    %dma_wait3A_436 = tpu.memref_squeeze %dma_wait3A_435 : memref<1x32x512xf32, #tpu.memory_space<vmem>> -> memref<32x512xf32, #tpu.memory_space<vmem>>
    tpu.wait_dma2 semaphore(%arg14 : memref<!tpu.dma_semaphore, #tpu.memory_space<semaphore_mem>>) src(%dma_wait3A_436 : memref<32x512xf32, #tpu.memory_space<vmem>>) dst(%dma_wait3A_432 : memref<32x512xf32, #tpu.memory_space<hbm>>)
    %dma_wait3A_437 = arith.constant 2 : i32
    %dma_wait3A_438 = arith.constant 0 : i32
    %dma_wait3A_439 = arith.constant 0 : i32
    %dma_wait3A_440 = tpu.memref_slice %arg8[%dma_wait3A_437, %dma_wait3A_438, %dma_wait3A_439] : memref<4x32x512xf32, #tpu.memory_space<vmem>> -> memref<1x32x512xf32, #tpu.memory_space<vmem>>
    %dma_wait3A_441 = tpu.memref_squeeze %dma_wait3A_440 : memref<1x32x512xf32, #tpu.memory_space<vmem>> -> memref<32x512xf32, #tpu.memory_space<vmem>>
    %dma_wait3A_442 = arith.constant 0 : i32
    %dma_wait3A_443 = arith.constant 0 : i32
    %dma_wait3A_444 = tpu.memref_slice %arg5[%dma_wait3A_442, %dma_wait3A_443] : memref<65536x512xf32, #tpu.memory_space<hbm>> -> memref<32x512xf32, #tpu.memory_space<hbm>>
    %dma_wait3A_445 = arith.constant 0 : i32
    %dma_wait3A_446 = arith.constant 0 : i32
    %dma_wait3A_447 = tpu.memref_slice %arg5[%dma_wait3A_445, %dma_wait3A_446] : memref<65536x512xf32, #tpu.memory_space<hbm>> -> memref<32x512xf32, #tpu.memory_space<hbm>>
    %dma_wait3A_448 = arith.constant 0 : i32
    %dma_wait3A_449 = arith.constant 0 : i32
    %dma_wait3A_450 = tpu.memref_slice %arg8[%dma_wait3A_437, %dma_wait3A_448, %dma_wait3A_449] : memref<4x32x512xf32, #tpu.memory_space<vmem>> -> memref<1x32x512xf32, #tpu.memory_space<vmem>>
    %dma_wait3A_451 = tpu.memref_squeeze %dma_wait3A_450 : memref<1x32x512xf32, #tpu.memory_space<vmem>> -> memref<32x512xf32, #tpu.memory_space<vmem>>
    tpu.wait_dma2 semaphore(%arg15 : memref<!tpu.dma_semaphore, #tpu.memory_space<semaphore_mem>>) src(%dma_wait3A_451 : memref<32x512xf32, #tpu.memory_space<vmem>>) dst(%dma_wait3A_447 : memref<32x512xf32, #tpu.memory_space<hbm>>)
    %dma_wait3A_452 = arith.constant 3 : i32
    %dma_wait3A_453 = arith.constant 0 : i32
    %dma_wait3A_454 = arith.constant 0 : i32
    %dma_wait3A_455 = tpu.memref_slice %arg8[%dma_wait3A_452, %dma_wait3A_453, %dma_wait3A_454] : memref<4x32x512xf32, #tpu.memory_space<vmem>> -> memref<1x32x512xf32, #tpu.memory_space<vmem>>
    %dma_wait3A_456 = tpu.memref_squeeze %dma_wait3A_455 : memref<1x32x512xf32, #tpu.memory_space<vmem>> -> memref<32x512xf32, #tpu.memory_space<vmem>>
    %dma_wait3A_457 = arith.constant 0 : i32
    %dma_wait3A_458 = arith.constant 0 : i32
    %dma_wait3A_459 = tpu.memref_slice %arg5[%dma_wait3A_457, %dma_wait3A_458] : memref<65536x512xf32, #tpu.memory_space<hbm>> -> memref<32x512xf32, #tpu.memory_space<hbm>>
    %dma_wait3A_460 = arith.constant 0 : i32
    %dma_wait3A_461 = arith.constant 0 : i32
    %dma_wait3A_462 = tpu.memref_slice %arg5[%dma_wait3A_460, %dma_wait3A_461] : memref<65536x512xf32, #tpu.memory_space<hbm>> -> memref<32x512xf32, #tpu.memory_space<hbm>>
    %dma_wait3A_463 = arith.constant 0 : i32
    %dma_wait3A_464 = arith.constant 0 : i32
    %dma_wait3A_465 = tpu.memref_slice %arg8[%dma_wait3A_452, %dma_wait3A_463, %dma_wait3A_464] : memref<4x32x512xf32, #tpu.memory_space<vmem>> -> memref<1x32x512xf32, #tpu.memory_space<vmem>>
    %dma_wait3A_466 = tpu.memref_squeeze %dma_wait3A_465 : memref<1x32x512xf32, #tpu.memory_space<vmem>> -> memref<32x512xf32, #tpu.memory_space<vmem>>
    tpu.wait_dma2 semaphore(%arg16 : memref<!tpu.dma_semaphore, #tpu.memory_space<semaphore_mem>>) src(%dma_wait3A_466 : memref<32x512xf32, #tpu.memory_space<vmem>>) dst(%dma_wait3A_462 : memref<32x512xf32, #tpu.memory_space<hbm>>)
    return
  }
}

module attributes {stable_mosaic.version = 14 : i64} {
  func.func @_pos_body(%arg0: memref<4x8192xi32, #tpu.memory_space<vmem>>, %arg1: memref<4x8192xi32, #tpu.memory_space<vmem>>, %arg2: memref<4x8192xi32, #tpu.memory_space<vmem>>) attributes {dimension_semantics = [], scalar_prefetch = 0 : i64, scratch_operands = 0 : i64, tpu.core_type = #tpu.core_type<tc>} {
    %get3A = arith.constant 0 : index
    %get3A_0 = arith.constant 0 : index
    %get3A_1 = vector.load %arg0[%get3A, %get3A_0] : memref<4x8192xi32, #tpu.memory_space<vmem>>, vector<4x8192xi32>
    %eq3A = arith.constant 7 : i32
    %eq3A_2 = vector.broadcast %eq3A : i32 to vector<4x8192xi32>
    %eq3A_3 = arith.cmpi eq, %get3A_1, %eq3A_2 : vector<4x8192xi32>
    %jit3A = arith.constant 1 : i32
    %jit3A_4 = arith.constant 0 : i32
    %broadcast_in_dim3A = vector.broadcast %jit3A : i32 to vector<4x8192xi32>
    %broadcast_in_dim3A_5 = vector.broadcast %jit3A_4 : i32 to vector<4x8192xi32>
    %select_n3A = arith.select %eq3A_3, %broadcast_in_dim3A, %broadcast_in_dim3A_5 : vector<4x8192xi1>, vector<4x8192xi32>
    %iota3A = tpu.iota {dimensions = array<i32: 1>} : vector<4x8192xi32>
    %eq3A_6 = arith.constant 1 : i32
    %eq3A_7 = vector.broadcast %eq3A_6 : i32 to vector<4x8192xi32>
    %eq3A_8 = arith.cmpi eq, %select_n3A, %eq3A_7 : vector<4x8192xi32>
    %jit3A_9 = arith.constant -1 : i32
    %broadcast_in_dim3A_10 = vector.broadcast %jit3A_9 : i32 to vector<4x8192xi32>
    %select_n3A_11 = arith.select %eq3A_8, %iota3A, %broadcast_in_dim3A_10 : vector<4x8192xi1>, vector<4x8192xi32>
    %roll3A = arith.constant 1 : i32
    %roll3A_12 = tpu.dynamic_rotate %select_n3A by %roll3A dim 1 : vector<4x8192xi32>, i32 -> vector<4x8192xi32>
    %ge3A = arith.constant 1 : i32
    %ge3A_13 = vector.broadcast %ge3A : i32 to vector<4x8192xi32>
    %ge3A_14 = arith.cmpi sge, %iota3A, %ge3A_13 : vector<4x8192xi32>
    %jit3A_15 = arith.constant 0 : i32
    %broadcast_in_dim3A_16 = vector.broadcast %jit3A_15 : i32 to vector<4x8192xi32>
    %select_n3A_17 = arith.select %ge3A_14, %roll3A_12, %broadcast_in_dim3A_16 : vector<4x8192xi1>, vector<4x8192xi32>
    %roll3A_18 = arith.constant 1 : i32
    %roll3A_19 = tpu.dynamic_rotate %select_n3A_11 by %roll3A_18 dim 1 : vector<4x8192xi32>, i32 -> vector<4x8192xi32>
    %ge3A_20 = arith.constant 1 : i32
    %ge3A_21 = vector.broadcast %ge3A_20 : i32 to vector<4x8192xi32>
    %ge3A_22 = arith.cmpi sge, %iota3A, %ge3A_21 : vector<4x8192xi32>
    %jit3A_23 = arith.constant -1 : i32
    %broadcast_in_dim3A_24 = vector.broadcast %jit3A_23 : i32 to vector<4x8192xi32>
    %select_n3A_25 = arith.select %ge3A_22, %roll3A_19, %broadcast_in_dim3A_24 : vector<4x8192xi1>, vector<4x8192xi32>
    %roll3A_26 = arith.constant 1 : i32
    %roll3A_27 = tpu.dynamic_rotate %select_n3A_17 by %roll3A_26 dim 1 : vector<4x8192xi32>, i32 -> vector<4x8192xi32>
    %ge3A_28 = arith.constant 1 : i32
    %ge3A_29 = vector.broadcast %ge3A_28 : i32 to vector<4x8192xi32>
    %ge3A_30 = arith.cmpi sge, %iota3A, %ge3A_29 : vector<4x8192xi32>
    %jit3A_31 = arith.constant 0 : i32
    %broadcast_in_dim3A_32 = vector.broadcast %jit3A_31 : i32 to vector<4x8192xi32>
    %select_n3A_33 = arith.select %ge3A_30, %roll3A_27, %broadcast_in_dim3A_32 : vector<4x8192xi1>, vector<4x8192xi32>
    %add3A = arith.addi %select_n3A_17, %select_n3A_33 : vector<4x8192xi32>
    %roll3A_34 = arith.constant 1 : i32
    %roll3A_35 = tpu.dynamic_rotate %select_n3A_25 by %roll3A_34 dim 1 : vector<4x8192xi32>, i32 -> vector<4x8192xi32>
    %ge3A_36 = arith.constant 1 : i32
    %ge3A_37 = vector.broadcast %ge3A_36 : i32 to vector<4x8192xi32>
    %ge3A_38 = arith.cmpi sge, %iota3A, %ge3A_37 : vector<4x8192xi32>
    %jit3A_39 = arith.constant -1 : i32
    %broadcast_in_dim3A_40 = vector.broadcast %jit3A_39 : i32 to vector<4x8192xi32>
    %select_n3A_41 = arith.select %ge3A_38, %roll3A_35, %broadcast_in_dim3A_40 : vector<4x8192xi1>, vector<4x8192xi32>
    %max3A = arith.maxsi %select_n3A_25, %select_n3A_41 : vector<4x8192xi32>
    %roll3A_42 = arith.constant 2 : i32
    %roll3A_43 = tpu.dynamic_rotate %add3A by %roll3A_42 dim 1 : vector<4x8192xi32>, i32 -> vector<4x8192xi32>
    %ge3A_44 = arith.constant 2 : i32
    %ge3A_45 = vector.broadcast %ge3A_44 : i32 to vector<4x8192xi32>
    %ge3A_46 = arith.cmpi sge, %iota3A, %ge3A_45 : vector<4x8192xi32>
    %jit3A_47 = arith.constant 0 : i32
    %broadcast_in_dim3A_48 = vector.broadcast %jit3A_47 : i32 to vector<4x8192xi32>
    %select_n3A_49 = arith.select %ge3A_46, %roll3A_43, %broadcast_in_dim3A_48 : vector<4x8192xi1>, vector<4x8192xi32>
    %add3A_50 = arith.addi %add3A, %select_n3A_49 : vector<4x8192xi32>
    %roll3A_51 = arith.constant 2 : i32
    %roll3A_52 = tpu.dynamic_rotate %max3A by %roll3A_51 dim 1 : vector<4x8192xi32>, i32 -> vector<4x8192xi32>
    %ge3A_53 = arith.constant 2 : i32
    %ge3A_54 = vector.broadcast %ge3A_53 : i32 to vector<4x8192xi32>
    %ge3A_55 = arith.cmpi sge, %iota3A, %ge3A_54 : vector<4x8192xi32>
    %jit3A_56 = arith.constant -1 : i32
    %broadcast_in_dim3A_57 = vector.broadcast %jit3A_56 : i32 to vector<4x8192xi32>
    %select_n3A_58 = arith.select %ge3A_55, %roll3A_52, %broadcast_in_dim3A_57 : vector<4x8192xi1>, vector<4x8192xi32>
    %max3A_59 = arith.maxsi %max3A, %select_n3A_58 : vector<4x8192xi32>
    %roll3A_60 = arith.constant 4 : i32
    %roll3A_61 = tpu.dynamic_rotate %add3A_50 by %roll3A_60 dim 1 : vector<4x8192xi32>, i32 -> vector<4x8192xi32>
    %ge3A_62 = arith.constant 4 : i32
    %ge3A_63 = vector.broadcast %ge3A_62 : i32 to vector<4x8192xi32>
    %ge3A_64 = arith.cmpi sge, %iota3A, %ge3A_63 : vector<4x8192xi32>
    %jit3A_65 = arith.constant 0 : i32
    %broadcast_in_dim3A_66 = vector.broadcast %jit3A_65 : i32 to vector<4x8192xi32>
    %select_n3A_67 = arith.select %ge3A_64, %roll3A_61, %broadcast_in_dim3A_66 : vector<4x8192xi1>, vector<4x8192xi32>
    %add3A_68 = arith.addi %add3A_50, %select_n3A_67 : vector<4x8192xi32>
    %roll3A_69 = arith.constant 4 : i32
    %roll3A_70 = tpu.dynamic_rotate %max3A_59 by %roll3A_69 dim 1 : vector<4x8192xi32>, i32 -> vector<4x8192xi32>
    %ge3A_71 = arith.constant 4 : i32
    %ge3A_72 = vector.broadcast %ge3A_71 : i32 to vector<4x8192xi32>
    %ge3A_73 = arith.cmpi sge, %iota3A, %ge3A_72 : vector<4x8192xi32>
    %jit3A_74 = arith.constant -1 : i32
    %broadcast_in_dim3A_75 = vector.broadcast %jit3A_74 : i32 to vector<4x8192xi32>
    %select_n3A_76 = arith.select %ge3A_73, %roll3A_70, %broadcast_in_dim3A_75 : vector<4x8192xi1>, vector<4x8192xi32>
    %max3A_77 = arith.maxsi %max3A_59, %select_n3A_76 : vector<4x8192xi32>
    %roll3A_78 = arith.constant 8 : i32
    %roll3A_79 = tpu.dynamic_rotate %add3A_68 by %roll3A_78 dim 1 : vector<4x8192xi32>, i32 -> vector<4x8192xi32>
    %ge3A_80 = arith.constant 8 : i32
    %ge3A_81 = vector.broadcast %ge3A_80 : i32 to vector<4x8192xi32>
    %ge3A_82 = arith.cmpi sge, %iota3A, %ge3A_81 : vector<4x8192xi32>
    %jit3A_83 = arith.constant 0 : i32
    %broadcast_in_dim3A_84 = vector.broadcast %jit3A_83 : i32 to vector<4x8192xi32>
    %select_n3A_85 = arith.select %ge3A_82, %roll3A_79, %broadcast_in_dim3A_84 : vector<4x8192xi1>, vector<4x8192xi32>
    %add3A_86 = arith.addi %add3A_68, %select_n3A_85 : vector<4x8192xi32>
    %roll3A_87 = arith.constant 8 : i32
    %roll3A_88 = tpu.dynamic_rotate %max3A_77 by %roll3A_87 dim 1 : vector<4x8192xi32>, i32 -> vector<4x8192xi32>
    %ge3A_89 = arith.constant 8 : i32
    %ge3A_90 = vector.broadcast %ge3A_89 : i32 to vector<4x8192xi32>
    %ge3A_91 = arith.cmpi sge, %iota3A, %ge3A_90 : vector<4x8192xi32>
    %jit3A_92 = arith.constant -1 : i32
    %broadcast_in_dim3A_93 = vector.broadcast %jit3A_92 : i32 to vector<4x8192xi32>
    %select_n3A_94 = arith.select %ge3A_91, %roll3A_88, %broadcast_in_dim3A_93 : vector<4x8192xi1>, vector<4x8192xi32>
    %max3A_95 = arith.maxsi %max3A_77, %select_n3A_94 : vector<4x8192xi32>
    %roll3A_96 = arith.constant 16 : i32
    %roll3A_97 = tpu.dynamic_rotate %add3A_86 by %roll3A_96 dim 1 : vector<4x8192xi32>, i32 -> vector<4x8192xi32>
    %ge3A_98 = arith.constant 16 : i32
    %ge3A_99 = vector.broadcast %ge3A_98 : i32 to vector<4x8192xi32>
    %ge3A_100 = arith.cmpi sge, %iota3A, %ge3A_99 : vector<4x8192xi32>
    %jit3A_101 = arith.constant 0 : i32
    %broadcast_in_dim3A_102 = vector.broadcast %jit3A_101 : i32 to vector<4x8192xi32>
    %select_n3A_103 = arith.select %ge3A_100, %roll3A_97, %broadcast_in_dim3A_102 : vector<4x8192xi1>, vector<4x8192xi32>
    %add3A_104 = arith.addi %add3A_86, %select_n3A_103 : vector<4x8192xi32>
    %roll3A_105 = arith.constant 16 : i32
    %roll3A_106 = tpu.dynamic_rotate %max3A_95 by %roll3A_105 dim 1 : vector<4x8192xi32>, i32 -> vector<4x8192xi32>
    %ge3A_107 = arith.constant 16 : i32
    %ge3A_108 = vector.broadcast %ge3A_107 : i32 to vector<4x8192xi32>
    %ge3A_109 = arith.cmpi sge, %iota3A, %ge3A_108 : vector<4x8192xi32>
    %jit3A_110 = arith.constant -1 : i32
    %broadcast_in_dim3A_111 = vector.broadcast %jit3A_110 : i32 to vector<4x8192xi32>
    %select_n3A_112 = arith.select %ge3A_109, %roll3A_106, %broadcast_in_dim3A_111 : vector<4x8192xi1>, vector<4x8192xi32>
    %max3A_113 = arith.maxsi %max3A_95, %select_n3A_112 : vector<4x8192xi32>
    %roll3A_114 = arith.constant 32 : i32
    %roll3A_115 = tpu.dynamic_rotate %add3A_104 by %roll3A_114 dim 1 : vector<4x8192xi32>, i32 -> vector<4x8192xi32>
    %ge3A_116 = arith.constant 32 : i32
    %ge3A_117 = vector.broadcast %ge3A_116 : i32 to vector<4x8192xi32>
    %ge3A_118 = arith.cmpi sge, %iota3A, %ge3A_117 : vector<4x8192xi32>
    %jit3A_119 = arith.constant 0 : i32
    %broadcast_in_dim3A_120 = vector.broadcast %jit3A_119 : i32 to vector<4x8192xi32>
    %select_n3A_121 = arith.select %ge3A_118, %roll3A_115, %broadcast_in_dim3A_120 : vector<4x8192xi1>, vector<4x8192xi32>
    %add3A_122 = arith.addi %add3A_104, %select_n3A_121 : vector<4x8192xi32>
    %roll3A_123 = arith.constant 32 : i32
    %roll3A_124 = tpu.dynamic_rotate %max3A_113 by %roll3A_123 dim 1 : vector<4x8192xi32>, i32 -> vector<4x8192xi32>
    %ge3A_125 = arith.constant 32 : i32
    %ge3A_126 = vector.broadcast %ge3A_125 : i32 to vector<4x8192xi32>
    %ge3A_127 = arith.cmpi sge, %iota3A, %ge3A_126 : vector<4x8192xi32>
    %jit3A_128 = arith.constant -1 : i32
    %broadcast_in_dim3A_129 = vector.broadcast %jit3A_128 : i32 to vector<4x8192xi32>
    %select_n3A_130 = arith.select %ge3A_127, %roll3A_124, %broadcast_in_dim3A_129 : vector<4x8192xi1>, vector<4x8192xi32>
    %max3A_131 = arith.maxsi %max3A_113, %select_n3A_130 : vector<4x8192xi32>
    %roll3A_132 = arith.constant 64 : i32
    %roll3A_133 = tpu.dynamic_rotate %add3A_122 by %roll3A_132 dim 1 : vector<4x8192xi32>, i32 -> vector<4x8192xi32>
    %ge3A_134 = arith.constant 64 : i32
    %ge3A_135 = vector.broadcast %ge3A_134 : i32 to vector<4x8192xi32>
    %ge3A_136 = arith.cmpi sge, %iota3A, %ge3A_135 : vector<4x8192xi32>
    %jit3A_137 = arith.constant 0 : i32
    %broadcast_in_dim3A_138 = vector.broadcast %jit3A_137 : i32 to vector<4x8192xi32>
    %select_n3A_139 = arith.select %ge3A_136, %roll3A_133, %broadcast_in_dim3A_138 : vector<4x8192xi1>, vector<4x8192xi32>
    %add3A_140 = arith.addi %add3A_122, %select_n3A_139 : vector<4x8192xi32>
    %roll3A_141 = arith.constant 64 : i32
    %roll3A_142 = tpu.dynamic_rotate %max3A_131 by %roll3A_141 dim 1 : vector<4x8192xi32>, i32 -> vector<4x8192xi32>
    %ge3A_143 = arith.constant 64 : i32
    %ge3A_144 = vector.broadcast %ge3A_143 : i32 to vector<4x8192xi32>
    %ge3A_145 = arith.cmpi sge, %iota3A, %ge3A_144 : vector<4x8192xi32>
    %jit3A_146 = arith.constant -1 : i32
    %broadcast_in_dim3A_147 = vector.broadcast %jit3A_146 : i32 to vector<4x8192xi32>
    %select_n3A_148 = arith.select %ge3A_145, %roll3A_142, %broadcast_in_dim3A_147 : vector<4x8192xi1>, vector<4x8192xi32>
    %max3A_149 = arith.maxsi %max3A_131, %select_n3A_148 : vector<4x8192xi32>
    %roll3A_150 = arith.constant 128 : i32
    %roll3A_151 = tpu.dynamic_rotate %add3A_140 by %roll3A_150 dim 1 : vector<4x8192xi32>, i32 -> vector<4x8192xi32>
    %ge3A_152 = arith.constant 128 : i32
    %ge3A_153 = vector.broadcast %ge3A_152 : i32 to vector<4x8192xi32>
    %ge3A_154 = arith.cmpi sge, %iota3A, %ge3A_153 : vector<4x8192xi32>
    %jit3A_155 = arith.constant 0 : i32
    %broadcast_in_dim3A_156 = vector.broadcast %jit3A_155 : i32 to vector<4x8192xi32>
    %select_n3A_157 = arith.select %ge3A_154, %roll3A_151, %broadcast_in_dim3A_156 : vector<4x8192xi1>, vector<4x8192xi32>
    %add3A_158 = arith.addi %add3A_140, %select_n3A_157 : vector<4x8192xi32>
    %roll3A_159 = arith.constant 128 : i32
    %roll3A_160 = tpu.dynamic_rotate %max3A_149 by %roll3A_159 dim 1 : vector<4x8192xi32>, i32 -> vector<4x8192xi32>
    %ge3A_161 = arith.constant 128 : i32
    %ge3A_162 = vector.broadcast %ge3A_161 : i32 to vector<4x8192xi32>
    %ge3A_163 = arith.cmpi sge, %iota3A, %ge3A_162 : vector<4x8192xi32>
    %jit3A_164 = arith.constant -1 : i32
    %broadcast_in_dim3A_165 = vector.broadcast %jit3A_164 : i32 to vector<4x8192xi32>
    %select_n3A_166 = arith.select %ge3A_163, %roll3A_160, %broadcast_in_dim3A_165 : vector<4x8192xi1>, vector<4x8192xi32>
    %max3A_167 = arith.maxsi %max3A_149, %select_n3A_166 : vector<4x8192xi32>
    %roll3A_168 = arith.constant 256 : i32
    %roll3A_169 = tpu.dynamic_rotate %add3A_158 by %roll3A_168 dim 1 : vector<4x8192xi32>, i32 -> vector<4x8192xi32>
    %ge3A_170 = arith.constant 256 : i32
    %ge3A_171 = vector.broadcast %ge3A_170 : i32 to vector<4x8192xi32>
    %ge3A_172 = arith.cmpi sge, %iota3A, %ge3A_171 : vector<4x8192xi32>
    %jit3A_173 = arith.constant 0 : i32
    %broadcast_in_dim3A_174 = vector.broadcast %jit3A_173 : i32 to vector<4x8192xi32>
    %select_n3A_175 = arith.select %ge3A_172, %roll3A_169, %broadcast_in_dim3A_174 : vector<4x8192xi1>, vector<4x8192xi32>
    %add3A_176 = arith.addi %add3A_158, %select_n3A_175 : vector<4x8192xi32>
    %roll3A_177 = arith.constant 256 : i32
    %roll3A_178 = tpu.dynamic_rotate %max3A_167 by %roll3A_177 dim 1 : vector<4x8192xi32>, i32 -> vector<4x8192xi32>
    %ge3A_179 = arith.constant 256 : i32
    %ge3A_180 = vector.broadcast %ge3A_179 : i32 to vector<4x8192xi32>
    %ge3A_181 = arith.cmpi sge, %iota3A, %ge3A_180 : vector<4x8192xi32>
    %jit3A_182 = arith.constant -1 : i32
    %broadcast_in_dim3A_183 = vector.broadcast %jit3A_182 : i32 to vector<4x8192xi32>
    %select_n3A_184 = arith.select %ge3A_181, %roll3A_178, %broadcast_in_dim3A_183 : vector<4x8192xi1>, vector<4x8192xi32>
    %max3A_185 = arith.maxsi %max3A_167, %select_n3A_184 : vector<4x8192xi32>
    %roll3A_186 = arith.constant 512 : i32
    %roll3A_187 = tpu.dynamic_rotate %add3A_176 by %roll3A_186 dim 1 : vector<4x8192xi32>, i32 -> vector<4x8192xi32>
    %ge3A_188 = arith.constant 512 : i32
    %ge3A_189 = vector.broadcast %ge3A_188 : i32 to vector<4x8192xi32>
    %ge3A_190 = arith.cmpi sge, %iota3A, %ge3A_189 : vector<4x8192xi32>
    %jit3A_191 = arith.constant 0 : i32
    %broadcast_in_dim3A_192 = vector.broadcast %jit3A_191 : i32 to vector<4x8192xi32>
    %select_n3A_193 = arith.select %ge3A_190, %roll3A_187, %broadcast_in_dim3A_192 : vector<4x8192xi1>, vector<4x8192xi32>
    %add3A_194 = arith.addi %add3A_176, %select_n3A_193 : vector<4x8192xi32>
    %roll3A_195 = arith.constant 512 : i32
    %roll3A_196 = tpu.dynamic_rotate %max3A_185 by %roll3A_195 dim 1 : vector<4x8192xi32>, i32 -> vector<4x8192xi32>
    %ge3A_197 = arith.constant 512 : i32
    %ge3A_198 = vector.broadcast %ge3A_197 : i32 to vector<4x8192xi32>
    %ge3A_199 = arith.cmpi sge, %iota3A, %ge3A_198 : vector<4x8192xi32>
    %jit3A_200 = arith.constant -1 : i32
    %broadcast_in_dim3A_201 = vector.broadcast %jit3A_200 : i32 to vector<4x8192xi32>
    %select_n3A_202 = arith.select %ge3A_199, %roll3A_196, %broadcast_in_dim3A_201 : vector<4x8192xi1>, vector<4x8192xi32>
    %max3A_203 = arith.maxsi %max3A_185, %select_n3A_202 : vector<4x8192xi32>
    %roll3A_204 = arith.constant 1024 : i32
    %roll3A_205 = tpu.dynamic_rotate %add3A_194 by %roll3A_204 dim 1 : vector<4x8192xi32>, i32 -> vector<4x8192xi32>
    %ge3A_206 = arith.constant 1024 : i32
    %ge3A_207 = vector.broadcast %ge3A_206 : i32 to vector<4x8192xi32>
    %ge3A_208 = arith.cmpi sge, %iota3A, %ge3A_207 : vector<4x8192xi32>
    %jit3A_209 = arith.constant 0 : i32
    %broadcast_in_dim3A_210 = vector.broadcast %jit3A_209 : i32 to vector<4x8192xi32>
    %select_n3A_211 = arith.select %ge3A_208, %roll3A_205, %broadcast_in_dim3A_210 : vector<4x8192xi1>, vector<4x8192xi32>
    %add3A_212 = arith.addi %add3A_194, %select_n3A_211 : vector<4x8192xi32>
    %roll3A_213 = arith.constant 1024 : i32
    %roll3A_214 = tpu.dynamic_rotate %max3A_203 by %roll3A_213 dim 1 : vector<4x8192xi32>, i32 -> vector<4x8192xi32>
    %ge3A_215 = arith.constant 1024 : i32
    %ge3A_216 = vector.broadcast %ge3A_215 : i32 to vector<4x8192xi32>
    %ge3A_217 = arith.cmpi sge, %iota3A, %ge3A_216 : vector<4x8192xi32>
    %jit3A_218 = arith.constant -1 : i32
    %broadcast_in_dim3A_219 = vector.broadcast %jit3A_218 : i32 to vector<4x8192xi32>
    %select_n3A_220 = arith.select %ge3A_217, %roll3A_214, %broadcast_in_dim3A_219 : vector<4x8192xi1>, vector<4x8192xi32>
    %max3A_221 = arith.maxsi %max3A_203, %select_n3A_220 : vector<4x8192xi32>
    %roll3A_222 = arith.constant 2048 : i32
    %roll3A_223 = tpu.dynamic_rotate %add3A_212 by %roll3A_222 dim 1 : vector<4x8192xi32>, i32 -> vector<4x8192xi32>
    %ge3A_224 = arith.constant 2048 : i32
    %ge3A_225 = vector.broadcast %ge3A_224 : i32 to vector<4x8192xi32>
    %ge3A_226 = arith.cmpi sge, %iota3A, %ge3A_225 : vector<4x8192xi32>
    %jit3A_227 = arith.constant 0 : i32
    %broadcast_in_dim3A_228 = vector.broadcast %jit3A_227 : i32 to vector<4x8192xi32>
    %select_n3A_229 = arith.select %ge3A_226, %roll3A_223, %broadcast_in_dim3A_228 : vector<4x8192xi1>, vector<4x8192xi32>
    %add3A_230 = arith.addi %add3A_212, %select_n3A_229 : vector<4x8192xi32>
    %roll3A_231 = arith.constant 2048 : i32
    %roll3A_232 = tpu.dynamic_rotate %max3A_221 by %roll3A_231 dim 1 : vector<4x8192xi32>, i32 -> vector<4x8192xi32>
    %ge3A_233 = arith.constant 2048 : i32
    %ge3A_234 = vector.broadcast %ge3A_233 : i32 to vector<4x8192xi32>
    %ge3A_235 = arith.cmpi sge, %iota3A, %ge3A_234 : vector<4x8192xi32>
    %jit3A_236 = arith.constant -1 : i32
    %broadcast_in_dim3A_237 = vector.broadcast %jit3A_236 : i32 to vector<4x8192xi32>
    %select_n3A_238 = arith.select %ge3A_235, %roll3A_232, %broadcast_in_dim3A_237 : vector<4x8192xi1>, vector<4x8192xi32>
    %max3A_239 = arith.maxsi %max3A_221, %select_n3A_238 : vector<4x8192xi32>
    %roll3A_240 = arith.constant 4096 : i32
    %roll3A_241 = tpu.dynamic_rotate %add3A_230 by %roll3A_240 dim 1 : vector<4x8192xi32>, i32 -> vector<4x8192xi32>
    %ge3A_242 = arith.constant 4096 : i32
    %ge3A_243 = vector.broadcast %ge3A_242 : i32 to vector<4x8192xi32>
    %ge3A_244 = arith.cmpi sge, %iota3A, %ge3A_243 : vector<4x8192xi32>
    %jit3A_245 = arith.constant 0 : i32
    %broadcast_in_dim3A_246 = vector.broadcast %jit3A_245 : i32 to vector<4x8192xi32>
    %select_n3A_247 = arith.select %ge3A_244, %roll3A_241, %broadcast_in_dim3A_246 : vector<4x8192xi1>, vector<4x8192xi32>
    %add3A_248 = arith.addi %add3A_230, %select_n3A_247 : vector<4x8192xi32>
    %roll3A_249 = arith.constant 4096 : i32
    %roll3A_250 = tpu.dynamic_rotate %max3A_239 by %roll3A_249 dim 1 : vector<4x8192xi32>, i32 -> vector<4x8192xi32>
    %ge3A_251 = arith.constant 4096 : i32
    %ge3A_252 = vector.broadcast %ge3A_251 : i32 to vector<4x8192xi32>
    %ge3A_253 = arith.cmpi sge, %iota3A, %ge3A_252 : vector<4x8192xi32>
    %jit3A_254 = arith.constant -1 : i32
    %broadcast_in_dim3A_255 = vector.broadcast %jit3A_254 : i32 to vector<4x8192xi32>
    %select_n3A_256 = arith.select %ge3A_253, %roll3A_250, %broadcast_in_dim3A_255 : vector<4x8192xi1>, vector<4x8192xi32>
    %max3A_257 = arith.maxsi %max3A_239, %select_n3A_256 : vector<4x8192xi32>
    %min3A = arith.constant 99 : i32
    %min3A_258 = vector.broadcast %min3A : i32 to vector<4x8192xi32>
    %min3A_259 = arith.minsi %add3A_248, %min3A_258 : vector<4x8192xi32>
    %sub3A = arith.subi %iota3A, %max3A_257 : vector<4x8192xi32>
    %sub3A_260 = arith.constant 1 : i32
    %sub3A_261 = vector.broadcast %sub3A_260 : i32 to vector<4x8192xi32>
    %sub3A_262 = arith.subi %sub3A, %sub3A_261 : vector<4x8192xi32>
    %jit3A_263 = arith.constant 0 : i32
    %jit3A_264 = arith.constant 199 : i32
    %max3A_265 = vector.broadcast %jit3A_263 : i32 to vector<4x8192xi32>
    %max3A_266 = arith.maxsi %max3A_265, %sub3A_262 : vector<4x8192xi32>
    %min3A_267 = vector.broadcast %jit3A_264 : i32 to vector<4x8192xi32>
    %min3A_268 = arith.minsi %min3A_267, %max3A_266 : vector<4x8192xi32>
    %add3A_269 = arith.constant 100 : i32
    %add3A_270 = vector.broadcast %add3A_269 : i32 to vector<4x8192xi32>
    %add3A_271 = arith.addi %min3A_268, %add3A_270 : vector<4x8192xi32>
    %iota3A_272 = tpu.iota {dimensions = array<i32: 0>} : vector<4x8192xi32>
    %mul3A = arith.constant 8192 : i32
    %mul3A_273 = vector.broadcast %mul3A : i32 to vector<4x8192xi32>
    %mul3A_274 = arith.muli %iota3A_272, %mul3A_273 : vector<4x8192xi32>
    %add3A_275 = arith.addi %mul3A_274, %iota3A : vector<4x8192xi32>
    %shift_right_arithmetic3A = arith.constant 10 : i32
    %shift_right_arithmetic3A_276 = vector.broadcast %shift_right_arithmetic3A : i32 to vector<4x8192xi32>
    %shift_right_arithmetic3A_277 = arith.shrsi %add3A_275, %shift_right_arithmetic3A_276 : vector<4x8192xi32>
    %mul3A_278 = arith.constant 384 : i32
    %mul3A_279 = vector.broadcast %mul3A_278 : i32 to vector<4x8192xi32>
    %mul3A_280 = arith.muli %shift_right_arithmetic3A_277, %mul3A_279 : vector<4x8192xi32>
    %add3A_281 = arith.addi %min3A_259, %mul3A_280 : vector<4x8192xi32>
    %swap3A = arith.constant 0 : index
    %swap3A_282 = arith.constant 0 : index
    %swap3A_283 = vector.load %arg1[%swap3A, %swap3A_282] : memref<4x8192xi32, #tpu.memory_space<vmem>>, vector<4x8192xi32>
    tpu.vector_store %arg1[%swap3A, %swap3A_282], %add3A_281 {strides = array<i32>} : memref<4x8192xi32, #tpu.memory_space<vmem>>, vector<4x8192xi32>,
    %add3A_284 = arith.addi %add3A_271, %mul3A_280 : vector<4x8192xi32>
    %swap3A_285 = arith.constant 0 : index
    %swap3A_286 = arith.constant 0 : index
    %swap3A_287 = vector.load %arg2[%swap3A_285, %swap3A_286] : memref<4x8192xi32, #tpu.memory_space<vmem>>, vector<4x8192xi32>
    tpu.vector_store %arg2[%swap3A_285, %swap3A_286], %add3A_284 {strides = array<i32>} : memref<4x8192xi32, #tpu.memory_space<vmem>>, vector<4x8192xi32>,
    return
  }
}

</mosaic_0001>

<sc_bundles>
// kernel: kernel.4.cloned.1.call-start
scs
__scs_entry_jumppad:
0x0: {  	(pc) =	sbr.rel $0x88, $3  }
0x1: {  	(tag) =	ssettag $0x0;
	lr =	simm.s32 $0x1  }
0x2: {  	[smem:$0x3F9E] =	sst lr;
	_ =	strace $0xD0000000  }
0x3: {  	_ = 	snop  }
0x4: {  	_ = 	snop  }
0x5: {  	_ = 	snop  }
0x6: {  	_ = 	snop  }
0x7: {  	_ = 	snop  }
__scs_overlays_trampoline_lowered:
0x8: {  	[smem:$0x3FAD] =	sst s0  }
0x9: {  	[smem:$0x3FAE] =	sst s1  }
0xa: {  	[smem:$0x3FAF] =	sst s2  }
0xb: {  	[smem:$0x3FB0] =	sst s3  }
0xc: {  	[smem:$0x3FB1] =	sst s4  }
0xd: {  	[smem:$0x3FB2] =	sst s5  }
0xe: {  	[smem:$0x3FB3] =	sst s6  }
0xf: {  	[smem:$0x3FB4] =	sst s7  }
0x10: {  	[smem:$0x3FB5] =	sst s8  }
0x11: {  	[smem:$0x3FB6] =	sst s9;
	s0 =	simm.s32 @!p0 $0x0  }
0x12: {  	s1 =	sld [smem:$0x3F9C];
	s0 =	simm.s32 @p0 $0x1  }
0x13: {  	[smem:$0x3FB7] =	sst s0;
	s0 =	simm.s32 @!p1 $0x0  }
0x14: {  	s2 =	sld [smem:$0x3F9B];
	s0 =	simm.s32 @p1 $0x1  }
0x15: {  	[smem:$0x3FB8] =	sst s0;
	s0 =	simm.s32 @!p2 $0x0  }
0x16: {  	s3 =	sld [smem:$0x3FDB];
	s0 =	simm.s32 @p2 $0x1  }
0x17: {  	s4 =	simm.s32 $0x1BF5;
	[smem:$0x3FBA] =	sst s0  }
0x18: {  	s0 =	sld [smem:$0x3F9D];
	_ =	swait.ge [sflag:s4], $0x0  }
0x19: {  	s7 =	sld [smem:$0x3F9E]  }
0x1a: {  	s8 =	sadd.s32 $0xFFFFE003, lr  }
0x1b: {  	s9 =	sadd.s32 $0xFFFFFEF7, lr;
	s5 =	simm.s32 $0xFFFFFFFF;
	p2 =	slt.u32 s8, $0xFFFFF086  }
0x1c: {  	p1 =	slt.u32 s9, $0xF7A;
	s5 =	simm.s32 @!p2 $0x0  }
0x1d: {  	s5 =	simm.s32 @p1 $0x1;
	p0 =	seq.s32 s7, s2  }
0x1e: {  	s7 =	smul.u32 @!p0 $0xF7A, s2;
	p2 =	seq.s32 @!p0 s5, $0x0  }
0x1f: {  	s9 =	smul.u32 $0xF7A, s1;
	s8 =	simm.s32 @!p0 $0x1BF5;
	p2 =	por !p2, p0  }
0x20: {  	[sflag:s8] =	ssyncset.s32 @!p0 $0xFFFFF086;
	s6 =	sadd.s32 @!p0 s3, s7;
	s7 =	simm.s32 @!p0 $0x108  }
0x21: {  	s3 =	sadd.s32 s3, s9;
	s6 =	sadd.s32 @!p0 $0x88, s6;
	s7 =	simm.s32 @p2 $0x1082  }
0x22: {  	[simem:s7], [sflag:s8] =	dma.local @!p0 [hbm:s6], $0xF7A  }
0x23: {  	s9 =	sor.u32 $0xD0000000, s2;
	s6 =	simm.s32 $0x108;
	_ =	swait.ge @!p0 [sflag:s8], $0x0  }
0x24: {  	s3 =	sadd.s32 $0x88, s3;
	s6 =	simm.s32 @!p1 $0x1082;
	[sflag:s4] =	ssyncset.s32 $0xFFFFF086  }
0x25: {  	[simem:s6], [sflag:s4] =	dma.local [hbm:s3], $0xF7A  }
0x26: {  	[smem:$0x3F9E] =	sst s1;
	(tag) =	ssettag s2;
	_ =	strace s9  }
0x27: {  	s1 =	sld [smem:$0x3FAE]  }
0x28: {  	s2 =	sld [smem:$0x3FAF]  }
0x29: {  	s4 =	sld [smem:$0x3FB1]  }
0x2a: {  	p0 =	seq.s32 s5, $0x0;
	s5 =	sld [smem:$0x3FB2]  }
0x2b: {  	s6 =	sld [smem:$0x3FB3]  }
0x2c: {  	s7 =	sld [smem:$0x3FB4]  }
0x2d: {  	s3 =	simm.s32 $0x108;
	s8 =	sld [smem:$0x3FB5]  }
0x2e: {  	s3 =	simm.s32 @!p0 $0x1082;
	s9 =	sld [smem:$0x3FB6]  }
0x2f: {  	lr =	sadd.s32 s0, s3;
	s0 =	sld [smem:$0x3FAD]  }
0x30: {  	s3 =	sld [smem:$0x3FB0]  }
0x31: {  	[smem:$0x3FB9] =	sst s10  }
0x32: {  	s10 =	sld [smem:$0x3FB7];
	_ =	sdelay $0x3  }
0x33: {  	p0 =	seq.s32 s10, $0x1;
	s10 =	sld [smem:$0x3FB9];
	_ =	sdelay $0x3  }
0x34: {  	[smem:$0x3FB9] =	sst s10  }
0x35: {  	s10 =	sld [smem:$0x3FB8];
	_ =	sdelay $0x3  }
0x36: {  	p1 =	seq.s32 s10, $0x1;
	s10 =	sld [smem:$0x3FB9];
	_ =	sdelay $0x3  }
0x37: {  	[smem:$0x3FB9] =	sst s10  }
0x38: {  	s10 =	sld [smem:$0x3FBA]  }
0x39: {  	_ = 	snop;
	(pc) =	sbr.ind lr, $3  }
0x3a: {  	_ = 	snop  }
0x3b: {  	_ = 	snop  }
0x3c: {  	p2 =	seq.s32 s10, $0x1;
	s10 =	sld [smem:$0x3FB9]  }
0x3d: {  	_ =	shalt  }
0x3e: {  	_ =	shalt  }
0x3f: {  	_ =	shalt  }
0x40: {  	_ =	shalt  }
0x41: {  	_ =	shalt  }
0x42: {  	_ =	shalt  }
0x43: {  	_ =	shalt  }
0x44: {  	_ =	shalt  }
0x45: {  	_ =	shalt  }
0x46: {  	_ =	shalt  }
0x47: {  	_ =	shalt  }
0x48: {  	_ =	shalt  }
0x49: {  	_ =	shalt  }
0x4a: {  	_ =	shalt  }
0x4b: {  	_ =	shalt  }
0x4c: {  	_ =	shalt  }
0x4d: {  	_ =	shalt  }
0x4e: {  	_ =	shalt  }
0x4f: {  	_ =	shalt  }
0x50: {  	_ =	shalt  }
0x51: {  	_ =	shalt  }
0x52: {  	_ =	shalt  }
0x53: {  	_ =	shalt  }
0x54: {  	_ =	shalt  }
0x55: {  	_ =	shalt  }
0x56: {  	_ =	shalt  }
0x57: {  	_ =	shalt  }
0x58: {  	_ =	shalt  }
0x59: {  	_ =	shalt  }
0x5a: {  	_ =	shalt  }
0x5b: {  	_ =	shalt  }
0x5c: {  	_ =	shalt  }
0x5d: {  	_ =	shalt  }
0x5e: {  	_ =	shalt  }
0x5f: {  	_ =	shalt  }
0x60: {  	_ =	shalt  }
0x61: {  	_ =	shalt  }
0x62: {  	_ =	shalt  }
0x63: {  	_ =	shalt  }
0x64: {  	_ =	shalt  }
0x65: {  	_ =	shalt  }
0x66: {  	_ =	shalt  }
0x67: {  	_ =	shalt  }
0x68: {  	_ =	shalt  }
0x69: {  	_ =	shalt  }
0x6a: {  	_ =	shalt  }
0x6b: {  	_ =	shalt  }
0x6c: {  	_ =	shalt  }
0x6d: {  	_ =	shalt  }
0x6e: {  	_ =	shalt  }
0x6f: {  	_ =	shalt  }
0x70: {  	_ =	shalt  }
0x71: {  	_ =	shalt  }
0x72: {  	_ =	shalt  }
0x73: {  	_ =	shalt  }
0x74: {  	_ =	shalt  }
0x75: {  	_ =	shalt  }
0x76: {  	_ =	shalt  }
0x77: {  	_ =	shalt  }
0x78: {  	_ =	shalt  }
0x79: {  	_ =	shalt  }
0x7a: {  	_ =	shalt  }
0x7b: {  	_ =	shalt  }
0x7c: {  	_ =	shalt  }
0x7d: {  	_ =	shalt  }
0x7e: {  	_ =	shalt  }
0x7f: {  	_ =	shalt  }
0x80: {  	_ =	shalt  }
0x81: {  	_ =	shalt  }
0x82: {  	_ =	shalt  }
0x83: {  	_ =	shalt  }
0x84: {  	_ =	shalt  }
0x85: {  	_ =	shalt  }
0x86: {  	_ =	shalt  }
0x87: {  	_ =	shalt  }
.Lfunc_end0:
.L_simem_size_0:
called_computation_lowered:
.L_overlay_start_0:
0x88: {  	s2 =	sld [smem:$0x3FD9]  }
0x89: {  	s3 =	sld [smem:$0x3FFE];
	_ =	sdelay $0x1  }
0x8a: {  	s1 =	srdreg.scid  }
0x8b: {  	s0 =	sand.u32 $0x1, s1  }
0x8c: {  	s17 =	sshll.u32 s0, $0xA;
	s2 =	sadd.s32 s3, s2  }
0x8d: {  	s2 =	sadd.s32 s2, s17  }
0x8e: {  	[smem:$0x3FC5] =	sst s2  }
0x8f: {  	_ = 	snop  }
0x90: {  	s2 =	sld [smem:$0x3FD0];
	(tm) =	ssettm $0x1  }
0x91: {  	s18 =	sld [smem:$0x3FFB];
	_ =	sdelay $0x3  }
0x92: {  	_ =	strace s18  }
0x93: {  	s3 =	sld [smem:$0x3FFC];
	_ =	sdelay $0x3  }
0x94: {  	_ =	strace s3  }
0x95: {  	s3 =	sld [smem:$0x3FFD];
	_ =	sdelay $0x3  }
0x96: {  	_ =	strace s3  }
0x97: {  	_ =	strace $0x8FFFFFFF  }
0x98: {  	s19 =	sld [smem:$0x3FDB];
	_ =	sdelay $0x1  }
0x99: {  	s4 =	simm.s32 $_scs_section_size  }
0x9a: {  	s5 =	simm.s32 $_size__tile_overlayer_lowered;
	s6 =	simm.s32 $_tile_overlayer_lowered  }
0x9b: {  	s22 =	simm.s32 $0x1BFF;
	s21 =	sshll.u32 s6, $0x1;
	s3 =	sadd.s32 s4, s19  }
0x9c: {  	s7 =	simm.s32 $0x0;
	s20 =	sshll.u32 s5, $0x1;
	s5 =	sadd.s32 s21, s3  }
0x9d: {  	[timem:s7], [sflag:s22] =	dma.local [hbm:s5], s20  }
0x9e: {  	_ =	swait.ge [sflag:s22], s20  }
0x9f: {  	s4 =	ssub.s32 $0x0, s20;
	[sflag:s22] =	ssyncset.done $0x0  }
0xa0: {  	[sflag:s22] =	ssyncadd.s32 s4;
	_ =	sdelay $0x1  }
0xa1: {  	s23 =	simm.s32 $0x1B8B  }
0xa2: {  	_ =	swait.ge [sflag:s23], $0x1  }
0xa3: {  	[sflag:s23] =	ssyncset.done $0x0  }
0xa4: {  	s25 =	simm.s32 $0x1B8E;
	s24 =	sld [smem:$0x3FFE];
	[sflag:s23] =	ssyncadd.s32 $0xFFFFFFFF  }
0xa5: {  	s26 =	simm.s32 $execute0_lowered;
	[smem:$0x3FD2] =	sst s25  }
0xa6: {  	s5 =	sshll.u32 s26, $0x1;
	_ =	strace $0x80000046;
	[dreg:$0x1] =	wrdreg $0xFFFFFFFF  }
0xa7: {  	s28 =	simm.s32 $_size_execute0_lowered;
	s3 =	sadd.s32 s3, s5;
	[dreg:$0x0] =	wrdreg $0x0  }
0xa8: {  	s5 =	sshll.u32 s28, $0x1;
	[dreg:$0x2] =	wrdreg s3  }
0xa9: {  	[dreg:$0x3] =	wrdreg s5  }
0xaa: {  	[dreg:$0x4] =	wrdreg $0xC0  }
0xab: {  	_ =	task [dreg:s7], $0x5FFFF  }
0xac: {  	[dreg:$0x1] =	wrdreg $0xFFFFFFFF  }
0xad: {  	[dreg:$0x0] =	wrdreg $0x60  }
0xae: {  	[dreg:$0x2] =	wrdreg s2  }
0xaf: {  	[dreg:$0x3] =	wrdreg s24  }
0xb0: {  	[dreg:$0x4] =	wrdreg $0x9  }
0xb1: {  	_ =	task.clear_ibuf [dreg:s7], $0x5FFFF;
	_ =	strace $0x90000046  }
0xb2: {  	s29 =	simm.s32 $0x9;
	_ =	strace $0x80000048  }
0xb3: {  	_ =	swait.ge [sflag:s29], $0x1  }
0xb4: {  	[sflag:s29] =	ssyncadd.s32 $0xFFFFFFFF  }
0xb5: {  	_ =	strace $0x90000048  }
0xb6: {  	_ =	sfence  }
0xb7: {  	s30 =	sld [smem:$0x0];
	_ =	sdelay $0x2  }
0xb8: {  	s31 =	sshll.u32 s1, $0xD;
	s1 =	sshrl.u32 s1, $0x2  }
0xb9: {  	s3 =	sand.u32 $0x4000, s31;
	s1 =	sadd.s32 s1, s30  }
0xba: {  	s0 =	sor.u32 s3, s0;
	s1 =	sshll.u32 s1, $0x11  }
0xbb: {  	s0 =	sor.u32 s1, s0  }
0xbc: {  	s0 =	sadd.s32 $0x8F2B, s0  }
0xbd: {  	[sflag:s0] =	ssyncadd.remote.s32 $0x1  }
0xbe: {  	_ =	sfence.sel $0xFFFF  }
0xbf: {  	[dreg:$0x0] =	wrdreg $0xFFFFFFFF;
	(pc) =	sbr.abs _section_cstart, $3  }
0xc0: {  	[dreg:$0x1] =	wrdreg $0xFFFFFFFF  }
0xc1: {  	_ =	task.clear_ibuf [dreg:s7], $0x2FFFF;
	_ =	strace $0x9FFFFFFF  }
0xc2: {  	(tm) =	ssettm $0x7FFFFFFF  }
0xc3: {  	_ =	shalt  }
tec
execute0_lowered:
.L_overlay_start_1:
0x0: {  	(tag) =	ssettag $0x1  }
0x1: {  	s2 =	rddreg [dreg:$0x0]  }
0x2: {  	s0 =	rddreg [dreg:$0x1]  }
0x3: {  	s1 =	srdreg.scid;
	s8 =	stileid.u32  }
0x4: {  	s3 =	simm.s32 $0x0;
	s28 =	simm.s32 $0x5000;
	s16 =	simm.s32 $0xD000  }
0x5: {  	s29 =	simm.s32 $0x3;
	s30 =	simm.s32 $0x5;
	s31 =	simm.s32 $0x4  }
0x6: {  	s9 =	simm.s32 $0x0;
	s12 =	simm.s32 $0x9800;
	s13 =	simm.s32 $0xA000  }
0x7: {  	s14 =	simm.s32 $0xA800;
	s1 =	sand.u32 $0x1, s1;
	s4 =	sshll.u32 s8, $0x1  }
0x8: {  	s15 =	simm.s32 $0xB000;
	[smem:$0x7FF] =	sst s3;
	s4 =	sor.u32 s1, s4  }
0x9: {  	s23 =	sshll.u32 s8, $0x12;
	s8 =	simm.s32 $0x9000;
	s5 =	sshll.u32 s4, $0x7  }
0xa: {  	_ =	strace $0x80000047;
	s6 =	ssub.s32 $0x2, s1;
	s5 =	sadd.s32 s5, s0  }
0xb: {  	s7 =	sshrl.u32 s6, $0x1;
	s4 =	sshll.u32 s4, $0x11;
	s17 =	sadd.s32 $0x800, s5  }
0xc: {  	s0 =	sadd.s32 $0x2800, s0;
	s5 =	sadd.s32 $0x1800, s5;
	[dreg:$0x4] =	wrdreg s17  }
0xd: {  	s7 =	ssub.s32 s6, s7;
	s18 =	sadd.s32 s0, s4;
	[dreg:$0x5] =	wrdreg s5  }
0xe: {  	s1 =	sshll.u32 s1, $0x11;
	s26 =	smax.u32 s7, $0x1;
	[dreg:$0x6] =	wrdreg s18  }
0xf: {  	s6 =	sadd.s32 $0x100, s2;
	s4 =	sadd.s32 $0x800, s18;
	[dreg:$0xe] =	wrdreg s26  }
0x10: {  	s0 =	sadd.s32 s23, s0;
	s19 =	sadd.s32 $0x1000, s18;
	[dreg:$0x7] =	wrdreg s4  }
0x11: {  	s7 =	simm.s32 $0x2;
	s20 =	sadd.s32 $0x1800, s18;
	[dreg:$0x8] =	wrdreg s19  }
0x12: {  	s23 =	simm.s32 $0xD800;
	s21 =	sadd.s32 $0x1E000, s18;
	[dreg:$0x9] =	wrdreg s20  }
0x13: {  	s22 =	sadd.s32 $0x1E800, s18;
	s24 =	sadd.s32 $0x1F000, s18;
	[dreg:$0xa] =	wrdreg s21  }
0x14: {  	s25 =	sadd.s32 $0x1F800, s18;
	s0 =	sadd.s32 s1, s0;
	[dreg:$0xb] =	wrdreg s22  }
0x15: {  	s18 =	simm.s32 $0x800;
	s5 =	simm.s32 $0x1;
	[dreg:$0xc] =	wrdreg s24  }
0x16: {  	v4 =	vlaneseq.u32;
	s1 =	simm.s32 $0x7;
	s17 =	simm.s32 $0x8;
	[dreg:$0xd] =	wrdreg s25  }
0x17: {  	v0 =	vmul.u32 $0x2, v4;
	s26 =	simm.s32 $0xF000;
	[dreg:$0x3] =	wrdreg s0;
	s19 =	simm.s32 $0x1000  }
0x18: {  	vm0 =	vmmov $0xffff;
	v2 =	vand.u32 $0x7, v4;
	v3 =	vshrl.u32 v4, $0x3;
	s0 =	simm.s32 $0x6;
	s20 =	simm.s32 $0xB800;
	s21 =	simm.s32 $0xC000  }
0x19: {  	v4 =	vor.u32 $0x8, v4;
	v3 =	vmul.u32 $0x8, v3;
	v1 =	vor.u32 $0x1, v0;
	s22 =	simm.s32 $0xC800;
	s24 =	simm.s32 $0xE000;
	s25 =	simm.s32 $0xE800  }
.LBB2_1:
0x1a: {  	[dreg:$0xf] =	wrdreg s9  }
0x1b: {  	s4 =	rddreg [dreg:$0x4];
	s9 =	simm.s32 $0x9  }
0x1c: {  	[tilespmem:s3], [sflag:$0x9] =	stream.linear.gather [hbm4b:s4+s3], $0x400, $0x38;
	[tilespmem:$0x11000] =	vst v63  }
0x1d: {  	_ =	swait.ge [sflag:s9], $0x400  }
0x1e: {  	[sflag:s9] =	ssyncset.done $0x0  }
0x1f: {  	s10 =	simm.s32 $0x400;
	s11 =	rddreg [dreg:$0x5];
	[sflag:s9] =	ssyncadd.s32 $0xFFFFFC00  }
0x20: {  	[tilespmem:s10], [sflag:$0x9] =	stream.linear.gather [hbm4b:s11+s3], $0x400, $0x38;
	[tilespmem:$0x11000] =	vst v63  }
0x21: {  	_ =	swait.ge [sflag:s9], $0x400  }
0x22: {  	[sflag:s9] =	ssyncset.done $0x0  }
0x23: {  	s4 =	simm.s32 $0x0;
	[sflag:s9] =	ssyncadd.s32 $0xFFFFFC00  }
0x24: {  	v6 =	vor.u32 s3, v0;
	s11 =	sand.u32 $0x3F0, s3;
	s10 =	simm.s32 $0x0;
	s9 =	simm.s32 $0x10;
	v5 =	vld [tilespmem:s3+$0x0]  }
.LBB2_2:
0x25: {  	p0 =	sne.s32 s9, $0x3F0;
	v7 =	vld [tilespmem:s11+$0x400];
	v8 =	vor.u32 s4, v1;
	_ =	sdelay $0x1  }
.Ltmp0:
0x26: {  	(pc) =	sbr.rel @p0 .LBB2_2-.Ltmp0, $4  }
0x27: {  	_ = 	snop  }
0x28: {  	[tilespmem:v6+s18+$0x0] =	vst.idx.msk $0xffff, v5  }
0x29: {  	s4 =	sadd.s32 $0x20, s4;
	s10 =	sadd.s32 $0x10, s10;
	[tilespmem:v8+s18+$0x0] =	vst.idx.msk $0xffff, v7  }
0x2a: {  	s11 =	sand.u32 $0x3F0, s9;
	s9 =	sadd.s32 $0x10, s9;
	v6 =	vor.u32 s4, v0;
	v5 =	vld [tilespmem:s10+$0x0]  }
0x2b: {  	v7 =	vld [tilespmem:s11+$0x400];
	v8 =	vor.u32 s4, v1;
	_ =	sdelay $0x3  }
0x2c: {  	[tilespmem:v6+s18+$0x0] =	vst.idx.msk $0xffff, v5  }
0x2d: {  	[tilespmem:v8+s18+$0x0] =	vst.idx.msk $0xffff, v7  }
0x2e: {  	v5 =	vld [tilespmem:$0x800];
	_ =	sdelay $0x4  }
0x2f: {  	v6 =	vshll.u32 v5, $0x2  }
0x30: {  	v5 =	vand.u32 $0x7, v5;
	v6 =	vand.u32 $0xFFFFFFE0, v6  }
0x31: {  	v5 =	vor.u32 v5, v6  }
0x32: {  	v6 =	vperm.xlane v5, v2;
	_ =	sdelay $0x1  }
0x33: {  	v6 =	vadd.s32 v3, v6;
	_ =	sdelay $0x1  }
0x34: {  	v5 =	vperm.xlane v5, v4;
	_ =	sdelay $0x1  }
0x35: {  	s4 =	simm.s32 $0x0;
	v5 =	vadd.s32 v3, v5  }
0x36: {  	[tilespmem:s19], [sflag:$0x1] =	stream.indirect_vreg.gather [hbm4b:s2+s4], $0x80, v6, vm0, $0xb8;
	[tilespmem:$0x11000] =	vst v63  }
0x37: {  	s10 =	simm.s32 $0x1800  }
0x38: {  	[tilespmem:s10], [sflag:$0x1] =	stream.indirect_vreg.gather [hbm4b:s6+s4], $0x80, v6, vm0, $0xb8;
	[tilespmem:$0x11000] =	vst v63  }
0x39: {  	s11 =	simm.s32 $0x2000  }
0x3a: {  	[tilespmem:s11], [sflag:$0x1] =	stream.indirect_vreg.gather [hbm4b:s2+s4], $0x80, v5, vm0, $0xb8;
	[tilespmem:$0x11000] =	vst v63  }
0x3b: {  	s9 =	simm.s32 $0x2800  }
0x3c: {  	[tilespmem:s9], [sflag:$0x1] =	stream.indirect_vreg.gather [hbm4b:s6+s4], $0x80, v5, vm0, $0xb8;
	[tilespmem:$0x11000] =	vst v63  }
0x3d: {  	v5 =	vld [tilespmem:$0x810];
	_ =	sdelay $0x4  }
0x3e: {  	v6 =	vshll.u32 v5, $0x2  }
0x3f: {  	v5 =	vand.u32 $0x7, v5;
	v6 =	vand.u32 $0xFFFFFFE0, v6  }
0x40: {  	v5 =	vor.u32 v5, v6  }
0x41: {  	v6 =	vperm.xlane v5, v2;
	_ =	sdelay $0x1  }
0x42: {  	v6 =	vadd.s32 v3, v6;
	_ =	sdelay $0x1  }
0x43: {  	v5 =	vperm.xlane v5, v4;
	_ =	sdelay $0x1  }
0x44: {  	s9 =	simm.s32 $0x3000;
	v5 =	vadd.s32 v3, v5  }
0x45: {  	[tilespmem:s9], [sflag:$0x1] =	stream.indirect_vreg.gather [hbm4b:s2+s4], $0x80, v6, vm0, $0xb8;
	[tilespmem:$0x11000] =	vst v63  }
0x46: {  	s9 =	simm.s32 $0x3800  }
0x47: {  	[tilespmem:s9], [sflag:$0x1] =	stream.indirect_vreg.gather [hbm4b:s6+s4], $0x80, v6, vm0, $0xb8;
	[tilespmem:$0x11000] =	vst v63  }
0x48: {  	s9 =	simm.s32 $0x4000  }
0x49: {  	[tilespmem:s9], [sflag:$0x1] =	stream.indirect_vreg.gather [hbm4b:s2+s4], $0x80, v5, vm0, $0xb8;
	[tilespmem:$0x11000] =	vst v63  }
0x4a: {  	s9 =	simm.s32 $0x4800  }
0x4b: {  	[tilespmem:s9], [sflag:$0x1] =	stream.indirect_vreg.gather [hbm4b:s6+s4], $0x80, v5, vm0, $0xb8;
	[tilespmem:$0x11000] =	vst v63  }
0x4c: {  	v5 =	vld [tilespmem:$0x820];
	_ =	sdelay $0x4  }
0x4d: {  	v6 =	vshll.u32 v5, $0x2  }
0x4e: {  	v5 =	vand.u32 $0x7, v5;
	v6 =	vand.u32 $0xFFFFFFE0, v6  }
0x4f: {  	v5 =	vor.u32 v5, v6  }
0x50: {  	v6 =	vperm.xlane v5, v2;
	_ =	sdelay $0x1  }
0x51: {  	v6 =	vadd.s32 v3, v6;
	_ =	sdelay $0x1  }
0x52: {  	v5 =	vperm.xlane v5, v4;
	_ =	sdelay $0x1  }
0x53: {  	v5 =	vadd.s32 v3, v5  }
0x54: {  	[tilespmem:s28], [sflag:$0x2] =	stream.indirect_vreg.gather [hbm4b:s2+s4], $0x80, v6, vm0, $0xb8;
	[tilespmem:$0x11000] =	vst v63  }
0x55: {  	s9 =	simm.s32 $0x5800  }
0x56: {  	[tilespmem:s9], [sflag:$0x2] =	stream.indirect_vreg.gather [hbm4b:s6+s4], $0x80, v6, vm0, $0xb8;
	[tilespmem:$0x11000] =	vst v63  }
0x57: {  	s9 =	simm.s32 $0x6000  }
0x58: {  	[tilespmem:s9], [sflag:$0x2] =	stream.indirect_vreg.gather [hbm4b:s2+s4], $0x80, v5, vm0, $0xb8;
	[tilespmem:$0x11000] =	vst v63  }
0x59: {  	s9 =	simm.s32 $0x6800  }
0x5a: {  	[tilespmem:s9], [sflag:$0x2] =	stream.indirect_vreg.gather [hbm4b:s6+s4], $0x80, v5, vm0, $0xb8;
	[tilespmem:$0x11000] =	vst v63  }
0x5b: {  	v5 =	vld [tilespmem:$0x830];
	_ =	sdelay $0x4  }
0x5c: {  	v6 =	vshll.u32 v5, $0x2  }
0x5d: {  	v5 =	vand.u32 $0x7, v5;
	v6 =	vand.u32 $0xFFFFFFE0, v6  }
0x5e: {  	v5 =	vor.u32 v5, v6  }
0x5f: {  	v6 =	vperm.xlane v5, v2;
	_ =	sdelay $0x1  }
0x60: {  	v6 =	vadd.s32 v3, v6;
	_ =	sdelay $0x1  }
0x61: {  	v5 =	vperm.xlane v5, v4;
	_ =	sdelay $0x1  }
0x62: {  	s9 =	simm.s32 $0x7000;
	v5 =	vadd.s32 v3, v5  }
0x63: {  	[tilespmem:s9], [sflag:$0x2] =	stream.indirect_vreg.gather [hbm4b:s2+s4], $0x80, v6, vm0, $0xb8;
	[tilespmem:$0x11000] =	vst v63  }
0x64: {  	s9 =	simm.s32 $0x7800  }
0x65: {  	[tilespmem:s9], [sflag:$0x2] =	stream.indirect_vreg.gather [hbm4b:s6+s4], $0x80, v6, vm0, $0xb8;
	[tilespmem:$0x11000] =	vst v63  }
0x66: {  	s9 =	simm.s32 $0x8000  }
0x67: {  	[tilespmem:s9], [sflag:$0x2] =	stream.indirect_vreg.gather [hbm4b:s2+s4], $0x80, v5, vm0, $0xb8;
	[tilespmem:$0x11000] =	vst v63  }
0x68: {  	s9 =	simm.s32 $0x8800  }
0x69: {  	[tilespmem:s9], [sflag:$0x2] =	stream.indirect_vreg.gather [hbm4b:s6+s4], $0x80, v5, vm0, $0xb8;
	[tilespmem:$0x11000] =	vst v63  }
0x6a: {  	_ =	swait.ge [sflag:s5], $0x4000  }
0x6b: {  	[sflag:s5] =	ssyncset.done $0x0  }
0x6c: {  	s9 =	rddreg [dreg:$0x6];
	[sflag:s5] =	ssyncadd.s32 $0xFFFFC000  }
0x6d: {  	[hbm4b:s9+s4] =	stream.linear.scatter [tilespmem:s19], [sflag:$0x5], $0x4000, $0x38;
	[tilespmem:$0x11000] =	vst v63  }
0x6e: {  	v5 =	vld [tilespmem:$0x840];
	_ =	sdelay $0x4  }
0x6f: {  	v6 =	vshll.u32 v5, $0x2  }
0x70: {  	v5 =	vand.u32 $0x7, v5;
	v6 =	vand.u32 $0xFFFFFFE0, v6  }
0x71: {  	v5 =	vor.u32 v5, v6  }
0x72: {  	v6 =	vperm.xlane v5, v2;
	_ =	sdelay $0x1  }
0x73: {  	v6 =	vadd.s32 v3, v6;
	_ =	sdelay $0x1  }
0x74: {  	v5 =	vperm.xlane v5, v4;
	_ =	sdelay $0x1  }
0x75: {  	v5 =	vadd.s32 v3, v5  }
0x76: {  	[tilespmem:s8], [sflag:$0x3] =	stream.indirect_vreg.gather [hbm4b:s2+s4], $0x80, v6, vm0, $0xb8;
	[tilespmem:$0x11000] =	vst v63  }
0x77: {  	_ = 	snop  }
0x78: {  	[tilespmem:s12], [sflag:$0x3] =	stream.indirect_vreg.gather [hbm4b:s6+s4], $0x80, v6, vm0, $0xb8;
	[tilespmem:$0x11000] =	vst v63  }
0x79: {  	_ = 	snop  }
0x7a: {  	[tilespmem:s13], [sflag:$0x3] =	stream.indirect_vreg.gather [hbm4b:s2+s4], $0x80, v5, vm0, $0xb8;
	[tilespmem:$0x11000] =	vst v63  }
0x7b: {  	_ = 	snop  }
0x7c: {  	[tilespmem:s14], [sflag:$0x3] =	stream.indirect_vreg.gather [hbm4b:s6+s4], $0x80, v5, vm0, $0xb8;
	[tilespmem:$0x11000] =	vst v63  }
0x7d: {  	v5 =	vld [tilespmem:$0x850];
	_ =	sdelay $0x4  }
0x7e: {  	v6 =	vshll.u32 v5, $0x2  }
0x7f: {  	v5 =	vand.u32 $0x7, v5;
	v6 =	vand.u32 $0xFFFFFFE0, v6  }
0x80: {  	v5 =	vor.u32 v5, v6  }
0x81: {  	v6 =	vperm.xlane v5, v2;
	_ =	sdelay $0x1  }
0x82: {  	v6 =	vadd.s32 v3, v6;
	_ =	sdelay $0x1  }
0x83: {  	v5 =	vperm.xlane v5, v4;
	_ =	sdelay $0x1  }
0x84: {  	v5 =	vadd.s32 v3, v5  }
0x85: {  	[tilespmem:s15], [sflag:$0x3] =	stream.indirect_vreg.gather [hbm4b:s2+s4], $0x80, v6, vm0, $0xb8;
	[tilespmem:$0x11000] =	vst v63  }
0x86: {  	_ = 	snop  }
0x87: {  	[tilespmem:s20], [sflag:$0x3] =	stream.indirect_vreg.gather [hbm4b:s6+s4], $0x80, v6, vm0, $0xb8;
	[tilespmem:$0x11000] =	vst v63  }
0x88: {  	_ = 	snop  }
0x89: {  	[tilespmem:s21], [sflag:$0x3] =	stream.indirect_vreg.gather [hbm4b:s2+s4], $0x80, v5, vm0, $0xb8;
	[tilespmem:$0x11000] =	vst v63  }
0x8a: {  	_ = 	snop  }
0x8b: {  	[tilespmem:s22], [sflag:$0x3] =	stream.indirect_vreg.gather [hbm4b:s6+s4], $0x80, v5, vm0, $0xb8;
	[tilespmem:$0x11000] =	vst v63  }
0x8c: {  	_ =	swait.ge [sflag:s7], $0x4000  }
0x8d: {  	[sflag:s7] =	ssyncset.done $0x0  }
0x8e: {  	s9 =	rddreg [dreg:$0x7];
	[sflag:s7] =	ssyncadd.s32 $0xFFFFC000  }
0x8f: {  	[hbm4b:s9+s4] =	stream.linear.scatter [tilespmem:s28], [sflag:$0x6], $0x4000, $0x38;
	[tilespmem:$0x11000] =	vst v63  }
0x90: {  	v5 =	vld [tilespmem:$0x860];
	_ =	sdelay $0x4  }
0x91: {  	v6 =	vshll.u32 v5, $0x2  }
0x92: {  	v5 =	vand.u32 $0x7, v5;
	v6 =	vand.u32 $0xFFFFFFE0, v6  }
0x93: {  	v5 =	vor.u32 v5, v6  }
0x94: {  	v6 =	vperm.xlane v5, v2;
	_ =	sdelay $0x1  }
0x95: {  	v6 =	vadd.s32 v3, v6;
	_ =	sdelay $0x1  }
0x96: {  	v5 =	vperm.xlane v5, v4;
	_ =	sdelay $0x1  }
0x97: {  	v5 =	vadd.s32 v3, v5  }
0x98: {  	[tilespmem:s16], [sflag:$0x4] =	stream.indirect_vreg.gather [hbm4b:s2+s4], $0x80, v6, vm0, $0xb8;
	[tilespmem:$0x11000] =	vst v63  }
0x99: {  	_ = 	snop  }
0x9a: {  	[tilespmem:s23], [sflag:$0x4] =	stream.indirect_vreg.gather [hbm4b:s6+s4], $0x80, v6, vm0, $0xb8;
	[tilespmem:$0x11000] =	vst v63  }
0x9b: {  	_ = 	snop  }
0x9c: {  	[tilespmem:s24], [sflag:$0x4] =	stream.indirect_vreg.gather [hbm4b:s2+s4], $0x80, v5, vm0, $0xb8;
	[tilespmem:$0x11000] =	vst v63  }
0x9d: {  	_ = 	snop  }
0x9e: {  	[tilespmem:s25], [sflag:$0x4] =	stream.indirect_vreg.gather [hbm4b:s6+s4], $0x80, v5, vm0, $0xb8;
	[tilespmem:$0x11000] =	vst v63  }
0x9f: {  	v5 =	vld [tilespmem:$0x870];
	_ =	sdelay $0x4  }
0xa0: {  	v6 =	vshll.u32 v5, $0x2  }
0xa1: {  	v5 =	vand.u32 $0x7, v5;
	v6 =	vand.u32 $0xFFFFFFE0, v6  }
0xa2: {  	v5 =	vor.u32 v5, v6  }
0xa3: {  	v6 =	vperm.xlane v5, v2;
	_ =	sdelay $0x1  }
0xa4: {  	v6 =	vadd.s32 v3, v6;
	_ =	sdelay $0x1  }
0xa5: {  	v5 =	vperm.xlane v5, v4;
	_ =	sdelay $0x1  }
0xa6: {  	v5 =	vadd.s32 v3, v5  }
0xa7: {  	[tilespmem:s26], [sflag:$0x4] =	stream.indirect_vreg.gather [hbm4b:s2+s4], $0x80, v6, vm0, $0xb8;
	[tilespmem:$0x11000] =	vst v63  }
0xa8: {  	s9 =	simm.s32 $0xF800  }
0xa9: {  	[tilespmem:s9], [sflag:$0x4] =	stream.indirect_vreg.gather [hbm4b:s6+s4], $0x80, v6, vm0, $0xb8;
	[tilespmem:$0x11000] =	vst v63  }
0xaa: {  	s9 =	simm.s32 $0x10000  }
0xab: {  	[tilespmem:s9], [sflag:$0x4] =	stream.indirect_vreg.gather [hbm4b:s2+s4], $0x80, v5, vm0, $0xb8;
	[tilespmem:$0x11000] =	vst v63  }
0xac: {  	s9 =	simm.s32 $0x10800  }
0xad: {  	[tilespmem:s9], [sflag:$0x4] =	stream.indirect_vreg.gather [hbm4b:s6+s4], $0x80, v5, vm0, $0xb8;
	[tilespmem:$0x11000] =	vst v63  }
0xae: {  	_ =	swait.ge [sflag:s29], $0x4000  }
0xaf: {  	[sflag:s29] =	ssyncset.done $0x0  }
0xb0: {  	s9 =	rddreg [dreg:$0x8];
	[sflag:s29] =	ssyncadd.s32 $0xFFFFC000  }
0xb1: {  	[hbm4b:s9+s4] =	stream.linear.scatter [tilespmem:s8], [sflag:$0x7], $0x4000, $0x38;
	[tilespmem:$0x11000] =	vst v63  }
0xb2: {  	_ =	swait.ge [sflag:s30], $0x4000  }
0xb3: {  	[sflag:s30] =	ssyncset.done $0x0  }
0xb4: {  	[sflag:s30] =	ssyncadd.s32 $0xFFFFC000  }
0xb5: {  	v5 =	vld [tilespmem:$0x880];
	_ =	sdelay $0x4  }
0xb6: {  	v6 =	vshll.u32 v5, $0x2  }
0xb7: {  	v5 =	vand.u32 $0x7, v5;
	v6 =	vand.u32 $0xFFFFFFE0, v6  }
0xb8: {  	v5 =	vor.u32 v5, v6  }
0xb9: {  	v6 =	vperm.xlane v5, v2;
	_ =	sdelay $0x1  }
0xba: {  	v6 =	vadd.s32 v3, v6;
	_ =	sdelay $0x1  }
0xbb: {  	v5 =	vperm.xlane v5, v4;
	_ =	sdelay $0x1  }
0xbc: {  	v5 =	vadd.s32 v3, v5  }
0xbd: {  	[tilespmem:s19], [sflag:$0x1] =	stream.indirect_vreg.gather [hbm4b:s2+s4], $0x80, v6, vm0, $0xb8;
	[tilespmem:$0x11000] =	vst v63  }
0xbe: {  	_ = 	snop  }
0xbf: {  	[tilespmem:s10], [sflag:$0x1] =	stream.indirect_vreg.gather [hbm4b:s6+s4], $0x80, v6, vm0, $0xb8;
	[tilespmem:$0x11000] =	vst v63  }
0xc0: {  	_ = 	snop  }
0xc1: {  	[tilespmem:s11], [sflag:$0x1] =	stream.indirect_vreg.gather [hbm4b:s2+s4], $0x80, v5, vm0, $0xb8;
	[tilespmem:$0x11000] =	vst v63  }
0xc2: {  	s9 =	simm.s32 $0x2800  }
0xc3: {  	[tilespmem:s9], [sflag:$0x1] =	stream.indirect_vreg.gather [hbm4b:s6+s4], $0x80, v5, vm0, $0xb8;
	[tilespmem:$0x11000] =	vst v63  }
0xc4: {  	v5 =	vld [tilespmem:$0x890];
	_ =	sdelay $0x4  }
0xc5: {  	v6 =	vshll.u32 v5, $0x2  }
0xc6: {  	v5 =	vand.u32 $0x7, v5;
	v6 =	vand.u32 $0xFFFFFFE0, v6  }
0xc7: {  	v5 =	vor.u32 v5, v6  }
0xc8: {  	v6 =	vperm.xlane v5, v2;
	_ =	sdelay $0x1  }
0xc9: {  	v6 =	vadd.s32 v3, v6;
	_ =	sdelay $0x1  }
0xca: {  	v5 =	vperm.xlane v5, v4;
	_ =	sdelay $0x1  }
0xcb: {  	s10 =	simm.s32 $0x3000;
	v5 =	vadd.s32 v3, v5  }
0xcc: {  	[tilespmem:s10], [sflag:$0x1] =	stream.indirect_vreg.gather [hbm4b:s2+s4], $0x80, v6, vm0, $0xb8;
	[tilespmem:$0x11000] =	vst v63  }
0xcd: {  	s11 =	simm.s32 $0x3800  }
0xce: {  	[tilespmem:s11], [sflag:$0x1] =	stream.indirect_vreg.gather [hbm4b:s6+s4], $0x80, v6, vm0, $0xb8;
	[tilespmem:$0x11000] =	vst v63  }
0xcf: {  	s11 =	simm.s32 $0x4000  }
0xd0: {  	[tilespmem:s11], [sflag:$0x1] =	stream.indirect_vreg.gather [hbm4b:s2+s4], $0x80, v5, vm0, $0xb8;
	[tilespmem:$0x11000] =	vst v63  }
0xd1: {  	s10 =	simm.s32 $0x4800  }
0xd2: {  	[tilespmem:s10], [sflag:$0x1] =	stream.indirect_vreg.gather [hbm4b:s6+s4], $0x80, v5, vm0, $0xb8;
	[tilespmem:$0x11000] =	vst v63  }
0xd3: {  	_ =	swait.ge [sflag:s31], $0x4000  }
0xd4: {  	[sflag:s31] =	ssyncset.done $0x0  }
0xd5: {  	s11 =	rddreg [dreg:$0x9];
	[sflag:s31] =	ssyncadd.s32 $0xFFFFC000  }
0xd6: {  	[hbm4b:s11+s4] =	stream.linear.scatter [tilespmem:s16], [sflag:$0x8], $0x4000, $0x38;
	[tilespmem:$0x11000] =	vst v63  }
0xd7: {  	_ =	swait.ge [sflag:s0], $0x4000  }
0xd8: {  	[sflag:s0] =	ssyncset.done $0x0  }
0xd9: {  	[sflag:s0] =	ssyncadd.s32 $0xFFFFC000  }
0xda: {  	v5 =	vld [tilespmem:$0x8A0];
	_ =	sdelay $0x4  }
0xdb: {  	v6 =	vshll.u32 v5, $0x2  }
0xdc: {  	v5 =	vand.u32 $0x7, v5;
	v6 =	vand.u32 $0xFFFFFFE0, v6  }
0xdd: {  	v5 =	vor.u32 v5, v6  }
0xde: {  	v6 =	vperm.xlane v5, v2;
	_ =	sdelay $0x1  }
0xdf: {  	v6 =	vadd.s32 v3, v6;
	_ =	sdelay $0x1  }
0xe0: {  	v5 =	vperm.xlane v5, v4;
	_ =	sdelay $0x1  }
0xe1: {  	v5 =	vadd.s32 v3, v5  }
0xe2: {  	[tilespmem:s28], [sflag:$0x2] =	stream.indirect_vreg.gather [hbm4b:s2+s4], $0x80, v6, vm0, $0xb8;
	[tilespmem:$0x11000] =	vst v63  }
0xe3: {  	s10 =	simm.s32 $0x5800  }
0xe4: {  	[tilespmem:s10], [sflag:$0x2] =	stream.indirect_vreg.gather [hbm4b:s6+s4], $0x80, v6, vm0, $0xb8;
	[tilespmem:$0x11000] =	vst v63  }
0xe5: {  	s11 =	simm.s32 $0x6000  }
0xe6: {  	[tilespmem:s11], [sflag:$0x2] =	stream.indirect_vreg.gather [hbm4b:s2+s4], $0x80, v5, vm0, $0xb8;
	[tilespmem:$0x11000] =	vst v63  }
0xe7: {  	s10 =	simm.s32 $0x6800  }
0xe8: {  	[tilespmem:s10], [sflag:$0x2] =	stream.indirect_vreg.gather [hbm4b:s6+s4], $0x80, v5, vm0, $0xb8;
	[tilespmem:$0x11000] =	vst v63  }
0xe9: {  	v5 =	vld [tilespmem:$0x8B0];
	_ =	sdelay $0x4  }
0xea: {  	v6 =	vshll.u32 v5, $0x2  }
0xeb: {  	v5 =	vand.u32 $0x7, v5;
	v6 =	vand.u32 $0xFFFFFFE0, v6  }
0xec: {  	v5 =	vor.u32 v5, v6  }
0xed: {  	v6 =	vperm.xlane v5, v2;
	_ =	sdelay $0x1  }
0xee: {  	v6 =	vadd.s32 v3, v6;
	_ =	sdelay $0x1  }
0xef: {  	v5 =	vperm.xlane v5, v4;
	_ =	sdelay $0x1  }
0xf0: {  	s11 =	simm.s32 $0x7000;
	v5 =	vadd.s32 v3, v5  }
0xf1: {  	[tilespmem:s11], [sflag:$0x2] =	stream.indirect_vreg.gather [hbm4b:s2+s4], $0x80, v6, vm0, $0xb8;
	[tilespmem:$0x11000] =	vst v63  }
0xf2: {  	s10 =	simm.s32 $0x7800  }
0xf3: {  	[tilespmem:s10], [sflag:$0x2] =	stream.indirect_vreg.gather [hbm4b:s6+s4], $0x80, v6, vm0, $0xb8;
	[tilespmem:$0x11000] =	vst v63  }
0xf4: {  	s11 =	simm.s32 $0x8000  }
0xf5: {  	[tilespmem:s11], [sflag:$0x2] =	stream.indirect_vreg.gather [hbm4b:s2+s4], $0x80, v5, vm0, $0xb8;
	[tilespmem:$0x11000] =	vst v63  }
0xf6: {  	s9 =	simm.s32 $0x930;
	s10 =	simm.s32 $0x8800  }
0xf7: {  	[tilespmem:s10], [sflag:$0x2] =	stream.indirect_vreg.gather [hbm4b:s6+s4], $0x80, v5, vm0, $0xb8;
	[tilespmem:$0x11000] =	vst v63  }
.LBB2_4:
0xf8: {  	_ =	swait.ge [sflag:s5], $0x4000  }
0xf9: {  	s10 =	rddreg [dreg:$0x3]  }
0xfa: {  	[sflag:s5] =	ssyncset.done $0x0;
	s10 =	sadd.s32 s4, s10  }
0xfb: {  	[sflag:s5] =	ssyncadd.s32 $0xFFFFC000;
	s11 =	sadd.s32 $0x2000, s10  }
0xfc: {  	[hbm4b:s11+s3] =	stream.linear.scatter [tilespmem:s19], [sflag:$0x5], $0x4000, $0x38;
	[tilespmem:$0x11000] =	vst v63  }
0xfd: {  	_ =	swait.ge [sflag:s1], $0x4000  }
0xfe: {  	[sflag:s1] =	ssyncset.done $0x0  }
0xff: {  	[sflag:s1] =	ssyncadd.s32 $0xFFFFC000  }
0x100: {  	v5 =	vld [tilespmem:s9+$0xFFFFFF90];
	_ =	sdelay $0x4  }
0x101: {  	v6 =	vshll.u32 v5, $0x2  }
0x102: {  	v5 =	vand.u32 $0x7, v5;
	v6 =	vand.u32 $0xFFFFFFE0, v6  }
0x103: {  	v5 =	vor.u32 v5, v6  }
0x104: {  	v6 =	vperm.xlane v5, v2;
	_ =	sdelay $0x1  }
0x105: {  	v6 =	vadd.s32 v3, v6;
	_ =	sdelay $0x1  }
0x106: {  	v5 =	vperm.xlane v5, v4;
	_ =	sdelay $0x1  }
0x107: {  	v5 =	vadd.s32 v3, v5  }
0x108: {  	[tilespmem:s8], [sflag:$0x3] =	stream.indirect_vreg.gather [hbm4b:s2+s3], $0x80, v6, vm0, $0xb8;
	[tilespmem:$0x11000] =	vst v63  }
0x109: {  	_ = 	snop  }
0x10a: {  	[tilespmem:s12], [sflag:$0x3] =	stream.indirect_vreg.gather [hbm4b:s6+s3], $0x80, v6, vm0, $0xb8;
	[tilespmem:$0x11000] =	vst v63  }
0x10b: {  	_ = 	snop  }
0x10c: {  	[tilespmem:s13], [sflag:$0x3] =	stream.indirect_vreg.gather [hbm4b:s2+s3], $0x80, v5, vm0, $0xb8;
	[tilespmem:$0x11000] =	vst v63  }
0x10d: {  	_ = 	snop  }
0x10e: {  	[tilespmem:s14], [sflag:$0x3] =	stream.indirect_vreg.gather [hbm4b:s6+s3], $0x80, v5, vm0, $0xb8;
	[tilespmem:$0x11000] =	vst v63  }
0x10f: {  	v5 =	vld [tilespmem:s9+$0xFFFFFFA0];
	_ =	sdelay $0x4  }
0x110: {  	v6 =	vshll.u32 v5, $0x2  }
0x111: {  	v5 =	vand.u32 $0x7, v5;
	v6 =	vand.u32 $0xFFFFFFE0, v6  }
0x112: {  	v5 =	vor.u32 v5, v6  }
0x113: {  	v6 =	vperm.xlane v5, v2;
	_ =	sdelay $0x1  }
0x114: {  	v6 =	vadd.s32 v3, v6;
	_ =	sdelay $0x1  }
0x115: {  	v5 =	vperm.xlane v5, v4;
	_ =	sdelay $0x1  }
0x116: {  	v5 =	vadd.s32 v3, v5  }
0x117: {  	[tilespmem:s15], [sflag:$0x3] =	stream.indirect_vreg.gather [hbm4b:s2+s3], $0x80, v6, vm0, $0xb8;
	[tilespmem:$0x11000] =	vst v63  }
0x118: {  	_ = 	snop  }
0x119: {  	[tilespmem:s20], [sflag:$0x3] =	stream.indirect_vreg.gather [hbm4b:s6+s3], $0x80, v6, vm0, $0xb8;
	[tilespmem:$0x11000] =	vst v63  }
0x11a: {  	_ = 	snop  }
0x11b: {  	[tilespmem:s21], [sflag:$0x3] =	stream.indirect_vreg.gather [hbm4b:s2+s3], $0x80, v5, vm0, $0xb8;
	[tilespmem:$0x11000] =	vst v63  }
0x11c: {  	_ = 	snop  }
0x11d: {  	[tilespmem:s22], [sflag:$0x3] =	stream.indirect_vreg.gather [hbm4b:s6+s3], $0x80, v5, vm0, $0xb8;
	[tilespmem:$0x11000] =	vst v63  }
0x11e: {  	_ =	swait.ge [sflag:s7], $0x4000  }
0x11f: {  	[sflag:s7] =	ssyncset.done $0x0  }
0x120: {  	s11 =	sadd.s32 $0x2800, s10;
	[sflag:s7] =	ssyncadd.s32 $0xFFFFC000  }
0x121: {  	[hbm4b:s11+s3] =	stream.linear.scatter [tilespmem:s28], [sflag:$0x6], $0x4000, $0x38;
	[tilespmem:$0x11000] =	vst v63  }
0x122: {  	_ =	swait.ge [sflag:s17], $0x4000  }
0x123: {  	[sflag:s17] =	ssyncset.done $0x0  }
0x124: {  	[sflag:s17] =	ssyncadd.s32 $0xFFFFC000  }
0x125: {  	v5 =	vld [tilespmem:s9+$0xFFFFFFB0];
	_ =	sdelay $0x4  }
0x126: {  	v6 =	vshll.u32 v5, $0x2  }
0x127: {  	v5 =	vand.u32 $0x7, v5;
	v6 =	vand.u32 $0xFFFFFFE0, v6  }
0x128: {  	v5 =	vor.u32 v5, v6  }
0x129: {  	v6 =	vperm.xlane v5, v2;
	_ =	sdelay $0x1  }
0x12a: {  	v6 =	vadd.s32 v3, v6;
	_ =	sdelay $0x1  }
0x12b: {  	v5 =	vperm.xlane v5, v4;
	_ =	sdelay $0x1  }
0x12c: {  	v5 =	vadd.s32 v3, v5  }
0x12d: {  	[tilespmem:s16], [sflag:$0x4] =	stream.indirect_vreg.gather [hbm4b:s2+s3], $0x80, v6, vm0, $0xb8;
	[tilespmem:$0x11000] =	vst v63  }
0x12e: {  	_ = 	snop  }
0x12f: {  	[tilespmem:s23], [sflag:$0x4] =	stream.indirect_vreg.gather [hbm4b:s6+s3], $0x80, v6, vm0, $0xb8;
	[tilespmem:$0x11000] =	vst v63  }
0x130: {  	_ = 	snop  }
0x131: {  	[tilespmem:s24], [sflag:$0x4] =	stream.indirect_vreg.gather [hbm4b:s2+s3], $0x80, v5, vm0, $0xb8;
	[tilespmem:$0x11000] =	vst v63  }
0x132: {  	_ = 	snop  }
0x133: {  	[tilespmem:s25], [sflag:$0x4] =	stream.indirect_vreg.gather [hbm4b:s6+s3], $0x80, v5, vm0, $0xb8;
	[tilespmem:$0x11000] =	vst v63  }
0x134: {  	v5 =	vld [tilespmem:s9+$0xFFFFFFC0];
	_ =	sdelay $0x4  }
0x135: {  	v6 =	vshll.u32 v5, $0x2  }
0x136: {  	v5 =	vand.u32 $0x7, v5;
	v6 =	vand.u32 $0xFFFFFFE0, v6  }
0x137: {  	v5 =	vor.u32 v5, v6  }
0x138: {  	v6 =	vperm.xlane v5, v2;
	_ =	sdelay $0x1  }
0x139: {  	v6 =	vadd.s32 v3, v6;
	_ =	sdelay $0x1  }
0x13a: {  	v5 =	vperm.xlane v5, v4;
	_ =	sdelay $0x1  }
0x13b: {  	v5 =	vadd.s32 v3, v5  }
0x13c: {  	[tilespmem:s26], [sflag:$0x4] =	stream.indirect_vreg.gather [hbm4b:s2+s3], $0x80, v6, vm0, $0xb8;
	[tilespmem:$0x11000] =	vst v63  }
0x13d: {  	s11 =	simm.s32 $0xF800  }
0x13e: {  	[tilespmem:s11], [sflag:$0x4] =	stream.indirect_vreg.gather [hbm4b:s6+s3], $0x80, v6, vm0, $0xb8;
	[tilespmem:$0x11000] =	vst v63  }
0x13f: {  	s11 =	simm.s32 $0x10000  }
0x140: {  	[tilespmem:s11], [sflag:$0x4] =	stream.indirect_vreg.gather [hbm4b:s2+s3], $0x80, v5, vm0, $0xb8;
	[tilespmem:$0x11000] =	vst v63  }
0x141: {  	s11 =	simm.s32 $0x10800  }
0x142: {  	[tilespmem:s11], [sflag:$0x4] =	stream.indirect_vreg.gather [hbm4b:s6+s3], $0x80, v5, vm0, $0xb8;
	[tilespmem:$0x11000] =	vst v63  }
0x143: {  	_ =	swait.ge [sflag:s29], $0x4000  }
0x144: {  	[sflag:s29] =	ssyncset.done $0x0  }
0x145: {  	s11 =	sadd.s32 $0x3000, s10;
	[sflag:s29] =	ssyncadd.s32 $0xFFFFC000  }
0x146: {  	[hbm4b:s11+s3] =	stream.linear.scatter [tilespmem:s8], [sflag:$0x7], $0x4000, $0x38;
	[tilespmem:$0x11000] =	vst v63  }
0x147: {  	_ =	swait.ge [sflag:s30], $0x4000  }
0x148: {  	[sflag:s30] =	ssyncset.done $0x0  }
0x149: {  	[sflag:s30] =	ssyncadd.s32 $0xFFFFC000  }
0x14a: {  	v5 =	vld [tilespmem:s9+$0xFFFFFFD0];
	_ =	sdelay $0x4  }
0x14b: {  	v6 =	vshll.u32 v5, $0x2  }
0x14c: {  	v5 =	vand.u32 $0x7, v5;
	v6 =	vand.u32 $0xFFFFFFE0, v6  }
0x14d: {  	v5 =	vor.u32 v5, v6  }
0x14e: {  	v6 =	vperm.xlane v5, v2;
	_ =	sdelay $0x1  }
0x14f: {  	v6 =	vadd.s32 v3, v6;
	_ =	sdelay $0x1  }
0x150: {  	v5 =	vperm.xlane v5, v4;
	_ =	sdelay $0x1  }
0x151: {  	v5 =	vadd.s32 v3, v5  }
0x152: {  	[tilespmem:s19], [sflag:$0x1] =	stream.indirect_vreg.gather [hbm4b:s2+s3], $0x80, v6, vm0, $0xb8;
	[tilespmem:$0x11000] =	vst v63  }
0x153: {  	s11 =	simm.s32 $0x1800  }
0x154: {  	[tilespmem:s11], [sflag:$0x1] =	stream.indirect_vreg.gather [hbm4b:s6+s3], $0x80, v6, vm0, $0xb8;
	[tilespmem:$0x11000] =	vst v63  }
0x155: {  	s11 =	simm.s32 $0x2000  }
0x156: {  	[tilespmem:s11], [sflag:$0x1] =	stream.indirect_vreg.gather [hbm4b:s2+s3], $0x80, v5, vm0, $0xb8;
	[tilespmem:$0x11000] =	vst v63  }
0x157: {  	s11 =	simm.s32 $0x2800  }
0x158: {  	[tilespmem:s11], [sflag:$0x1] =	stream.indirect_vreg.gather [hbm4b:s6+s3], $0x80, v5, vm0, $0xb8;
	[tilespmem:$0x11000] =	vst v63  }
0x159: {  	v5 =	vld [tilespmem:s9+$0xFFFFFFE0];
	_ =	sdelay $0x4  }
0x15a: {  	v6 =	vshll.u32 v5, $0x2  }
0x15b: {  	v5 =	vand.u32 $0x7, v5;
	v6 =	vand.u32 $0xFFFFFFE0, v6  }
0x15c: {  	v5 =	vor.u32 v5, v6  }
0x15d: {  	v6 =	vperm.xlane v5, v2;
	_ =	sdelay $0x1  }
0x15e: {  	v6 =	vadd.s32 v3, v6;
	_ =	sdelay $0x1  }
0x15f: {  	v5 =	vperm.xlane v5, v4;
	_ =	sdelay $0x1  }
0x160: {  	s11 =	simm.s32 $0x3000;
	v5 =	vadd.s32 v3, v5  }
0x161: {  	[tilespmem:s11], [sflag:$0x1] =	stream.indirect_vreg.gather [hbm4b:s2+s3], $0x80, v6, vm0, $0xb8;
	[tilespmem:$0x11000] =	vst v63  }
0x162: {  	s11 =	simm.s32 $0x3800  }
0x163: {  	[tilespmem:s11], [sflag:$0x1] =	stream.indirect_vreg.gather [hbm4b:s6+s3], $0x80, v6, vm0, $0xb8;
	[tilespmem:$0x11000] =	vst v63  }
0x164: {  	s11 =	simm.s32 $0x4000  }
0x165: {  	[tilespmem:s11], [sflag:$0x1] =	stream.indirect_vreg.gather [hbm4b:s2+s3], $0x80, v5, vm0, $0xb8;
	[tilespmem:$0x11000] =	vst v63  }
0x166: {  	s11 =	simm.s32 $0x4800  }
0x167: {  	[tilespmem:s11], [sflag:$0x1] =	stream.indirect_vreg.gather [hbm4b:s6+s3], $0x80, v5, vm0, $0xb8;
	[tilespmem:$0x11000] =	vst v63  }
0x168: {  	_ =	swait.ge [sflag:s31], $0x4000  }
0x169: {  	[sflag:s31] =	ssyncset.done $0x0  }
0x16a: {  	s10 =	sadd.s32 $0x3800, s10;
	[sflag:s31] =	ssyncadd.s32 $0xFFFFC000  }
0x16b: {  	[hbm4b:s10+s3] =	stream.linear.scatter [tilespmem:s16], [sflag:$0x8], $0x4000, $0x38;
	[tilespmem:$0x11000] =	vst v63  }
0x16c: {  	_ =	swait.ge [sflag:s0], $0x4000  }
0x16d: {  	[sflag:s0] =	ssyncset.done $0x0  }
0x16e: {  	[sflag:s0] =	ssyncadd.s32 $0xFFFFC000  }
0x16f: {  	v5 =	vld [tilespmem:s9+$0xFFFFFFF0];
	_ =	sdelay $0x4  }
0x170: {  	v6 =	vshll.u32 v5, $0x2  }
0x171: {  	v5 =	vand.u32 $0x7, v5;
	v6 =	vand.u32 $0xFFFFFFE0, v6  }
0x172: {  	v5 =	vor.u32 v5, v6  }
0x173: {  	v6 =	vperm.xlane v5, v2;
	_ =	sdelay $0x1  }
0x174: {  	v6 =	vadd.s32 v3, v6;
	_ =	sdelay $0x1  }
0x175: {  	v5 =	vperm.xlane v5, v4;
	_ =	sdelay $0x1  }
0x176: {  	v5 =	vadd.s32 v3, v5  }
0x177: {  	[tilespmem:s28], [sflag:$0x2] =	stream.indirect_vreg.gather [hbm4b:s2+s3], $0x80, v6, vm0, $0xb8;
	[tilespmem:$0x11000] =	vst v63  }
0x178: {  	s11 =	simm.s32 $0x5800  }
0x179: {  	[tilespmem:s11], [sflag:$0x2] =	stream.indirect_vreg.gather [hbm4b:s6+s3], $0x80, v6, vm0, $0xb8;
	[tilespmem:$0x11000] =	vst v63  }
0x17a: {  	s11 =	simm.s32 $0x6000  }
0x17b: {  	[tilespmem:s11], [sflag:$0x2] =	stream.indirect_vreg.gather [hbm4b:s2+s3], $0x80, v5, vm0, $0xb8;
	[tilespmem:$0x11000] =	vst v63  }
0x17c: {  	s11 =	simm.s32 $0x6800  }
0x17d: {  	[tilespmem:s11], [sflag:$0x2] =	stream.indirect_vreg.gather [hbm4b:s6+s3], $0x80, v5, vm0, $0xb8;
	[tilespmem:$0x11000] =	vst v63  }
0x17e: {  	v5 =	vld [tilespmem:s9+$0x0];
	_ =	sdelay $0x4  }
0x17f: {  	v6 =	vshll.u32 v5, $0x2  }
0x180: {  	v5 =	vand.u32 $0x7, v5;
	v6 =	vand.u32 $0xFFFFFFE0, v6  }
0x181: {  	v5 =	vor.u32 v5, v6  }
0x182: {  	v6 =	vperm.xlane v5, v2;
	_ =	sdelay $0x1  }
0x183: {  	v6 =	vadd.s32 v3, v6;
	_ =	sdelay $0x2  }
0x184: {  	v5 =	vperm.xlane v5, v4  }
0x185: {  	s11 =	simm.s32 $0x7000  }
0x186: {  	v5 =	vadd.s32 v3, v5;
	[tilespmem:s11], [sflag:$0x2] =	stream.indirect_vreg.gather [hbm4b:s2+s3], $0x80, v6, vm0, $0xb8;
	[tilespmem:$0x11000] =	vst v63  }
0x187: {  	p0 =	sne.s32 s4, $0x1A000;
	s11 =	simm.s32 $0x7800  }
0x188: {  	[tilespmem:s11], [sflag:$0x2] =	stream.indirect_vreg.gather [hbm4b:s6+s3], $0x80, v6, vm0, $0xb8;
	[tilespmem:$0x11000] =	vst v63  }
.Ltmp1:
0x189: {  	_ = 	snop;
	(pc) =	sbr.rel @p0 .LBB2_4-.Ltmp1, $4  }
0x18a: {  	s11 =	simm.s32 $0x8000  }
0x18b: {  	[tilespmem:s11], [sflag:$0x2] =	stream.indirect_vreg.gather [hbm4b:s2+s3], $0x80, v5, vm0, $0xb8;
	[tilespmem:$0x11000] =	vst v63  }
0x18c: {  	s4 =	sadd.s32 $0x2000, s4;
	s9 =	sadd.s32 $0x80, s9;
	s11 =	simm.s32 $0x8800  }
0x18d: {  	[tilespmem:s11], [sflag:$0x2] =	stream.indirect_vreg.gather [hbm4b:s6+s3], $0x80, v5, vm0, $0xb8;
	[tilespmem:$0x11000] =	vst v63  }
0x18e: {  	_ =	swait.ge [sflag:s5], $0x4000  }
0x18f: {  	[sflag:s5] =	ssyncset.done $0x0  }
0x190: {  	s4 =	rddreg [dreg:$0xa];
	[sflag:s5] =	ssyncadd.s32 $0xFFFFC000  }
0x191: {  	[hbm4b:s4+s3] =	stream.linear.scatter [tilespmem:s19], [sflag:$0x5], $0x4000, $0x38;
	[tilespmem:$0x11000] =	vst v63  }
0x192: {  	_ =	swait.ge [sflag:s1], $0x4000  }
0x193: {  	[sflag:s1] =	ssyncset.done $0x0  }
0x194: {  	[sflag:s1] =	ssyncadd.s32 $0xFFFFC000  }
0x195: {  	v5 =	vld [tilespmem:$0xFC0];
	_ =	sdelay $0x4  }
0x196: {  	v6 =	vshll.u32 v5, $0x2  }
0x197: {  	v5 =	vand.u32 $0x7, v5;
	v6 =	vand.u32 $0xFFFFFFE0, v6  }
0x198: {  	v5 =	vor.u32 v5, v6  }
0x199: {  	v6 =	vperm.xlane v5, v2;
	_ =	sdelay $0x1  }
0x19a: {  	v6 =	vadd.s32 v3, v6;
	_ =	sdelay $0x1  }
0x19b: {  	v5 =	vperm.xlane v5, v4;
	_ =	sdelay $0x1  }
0x19c: {  	v5 =	vadd.s32 v3, v5  }
0x19d: {  	[tilespmem:s8], [sflag:$0x3] =	stream.indirect_vreg.gather [hbm4b:s2+s3], $0x80, v6, vm0, $0xb8;
	[tilespmem:$0x11000] =	vst v63  }
0x19e: {  	_ = 	snop  }
0x19f: {  	[tilespmem:s12], [sflag:$0x3] =	stream.indirect_vreg.gather [hbm4b:s6+s3], $0x80, v6, vm0, $0xb8;
	[tilespmem:$0x11000] =	vst v63  }
0x1a0: {  	_ = 	snop  }
0x1a1: {  	[tilespmem:s13], [sflag:$0x3] =	stream.indirect_vreg.gather [hbm4b:s2+s3], $0x80, v5, vm0, $0xb8;
	[tilespmem:$0x11000] =	vst v63  }
0x1a2: {  	_ = 	snop  }
0x1a3: {  	[tilespmem:s14], [sflag:$0x3] =	stream.indirect_vreg.gather [hbm4b:s6+s3], $0x80, v5, vm0, $0xb8;
	[tilespmem:$0x11000] =	vst v63  }
0x1a4: {  	v5 =	vld [tilespmem:$0xFD0];
	_ =	sdelay $0x4  }
0x1a5: {  	v6 =	vshll.u32 v5, $0x2  }
0x1a6: {  	v5 =	vand.u32 $0x7, v5;
	v6 =	vand.u32 $0xFFFFFFE0, v6  }
0x1a7: {  	v5 =	vor.u32 v5, v6  }
0x1a8: {  	v6 =	vperm.xlane v5, v2;
	_ =	sdelay $0x1  }
0x1a9: {  	v6 =	vadd.s32 v3, v6;
	_ =	sdelay $0x1  }
0x1aa: {  	v5 =	vperm.xlane v5, v4;
	_ =	sdelay $0x1  }
0x1ab: {  	v5 =	vadd.s32 v3, v5  }
0x1ac: {  	[tilespmem:s15], [sflag:$0x3] =	stream.indirect_vreg.gather [hbm4b:s2+s3], $0x80, v6, vm0, $0xb8;
	[tilespmem:$0x11000] =	vst v63  }
0x1ad: {  	_ = 	snop  }
0x1ae: {  	[tilespmem:s20], [sflag:$0x3] =	stream.indirect_vreg.gather [hbm4b:s6+s3], $0x80, v6, vm0, $0xb8;
	[tilespmem:$0x11000] =	vst v63  }
0x1af: {  	_ = 	snop  }
0x1b0: {  	[tilespmem:s21], [sflag:$0x3] =	stream.indirect_vreg.gather [hbm4b:s2+s3], $0x80, v5, vm0, $0xb8;
	[tilespmem:$0x11000] =	vst v63  }
0x1b1: {  	_ = 	snop  }
0x1b2: {  	[tilespmem:s22], [sflag:$0x3] =	stream.indirect_vreg.gather [hbm4b:s6+s3], $0x80, v5, vm0, $0xb8;
	[tilespmem:$0x11000] =	vst v63  }
0x1b3: {  	_ =	swait.ge [sflag:s7], $0x4000  }
0x1b4: {  	[sflag:s7] =	ssyncset.done $0x0  }
0x1b5: {  	s11 =	rddreg [dreg:$0xb];
	[sflag:s7] =	ssyncadd.s32 $0xFFFFC000  }
0x1b6: {  	[hbm4b:s11+s3] =	stream.linear.scatter [tilespmem:s28], [sflag:$0x6], $0x4000, $0x38;
	[tilespmem:$0x11000] =	vst v63  }
0x1b7: {  	_ =	swait.ge [sflag:s17], $0x4000  }
0x1b8: {  	[sflag:s17] =	ssyncset.done $0x0  }
0x1b9: {  	[sflag:s17] =	ssyncadd.s32 $0xFFFFC000  }
0x1ba: {  	v5 =	vld [tilespmem:$0xFE0];
	_ =	sdelay $0x4  }
0x1bb: {  	v6 =	vshll.u32 v5, $0x2  }
0x1bc: {  	v5 =	vand.u32 $0x7, v5;
	v6 =	vand.u32 $0xFFFFFFE0, v6  }
0x1bd: {  	v5 =	vor.u32 v5, v6  }
0x1be: {  	v6 =	vperm.xlane v5, v2;
	_ =	sdelay $0x1  }
0x1bf: {  	v6 =	vadd.s32 v3, v6;
	_ =	sdelay $0x1  }
0x1c0: {  	v5 =	vperm.xlane v5, v4;
	_ =	sdelay $0x1  }
0x1c1: {  	v5 =	vadd.s32 v3, v5  }
0x1c2: {  	[tilespmem:s16], [sflag:$0x4] =	stream.indirect_vreg.gather [hbm4b:s2+s3], $0x80, v6, vm0, $0xb8;
	[tilespmem:$0x11000] =	vst v63  }
0x1c3: {  	_ = 	snop  }
0x1c4: {  	[tilespmem:s23], [sflag:$0x4] =	stream.indirect_vreg.gather [hbm4b:s6+s3], $0x80, v6, vm0, $0xb8;
	[tilespmem:$0x11000] =	vst v63  }
0x1c5: {  	_ = 	snop  }
0x1c6: {  	[tilespmem:s24], [sflag:$0x4] =	stream.indirect_vreg.gather [hbm4b:s2+s3], $0x80, v5, vm0, $0xb8;
	[tilespmem:$0x11000] =	vst v63  }
0x1c7: {  	_ = 	snop  }
0x1c8: {  	[tilespmem:s25], [sflag:$0x4] =	stream.indirect_vreg.gather [hbm4b:s6+s3], $0x80, v5, vm0, $0xb8;
	[tilespmem:$0x11000] =	vst v63  }
0x1c9: {  	v5 =	vld [tilespmem:$0xFF0];
	_ =	sdelay $0x4  }
0x1ca: {  	v6 =	vshll.u32 v5, $0x2  }
0x1cb: {  	v5 =	vand.u32 $0x7, v5;
	v6 =	vand.u32 $0xFFFFFFE0, v6  }
0x1cc: {  	v5 =	vor.u32 v5, v6  }
0x1cd: {  	v6 =	vperm.xlane v5, v2;
	_ =	sdelay $0x1  }
0x1ce: {  	v6 =	vadd.s32 v3, v6;
	_ =	sdelay $0x1  }
0x1cf: {  	v5 =	vperm.xlane v5, v4;
	_ =	sdelay $0x1  }
0x1d0: {  	v5 =	vadd.s32 v3, v5  }
0x1d1: {  	[tilespmem:s26], [sflag:$0x4] =	stream.indirect_vreg.gather [hbm4b:s2+s3], $0x80, v6, vm0, $0xb8;
	[tilespmem:$0x11000] =	vst v63  }
0x1d2: {  	s9 =	simm.s32 $0xF800  }
0x1d3: {  	[tilespmem:s9], [sflag:$0x4] =	stream.indirect_vreg.gather [hbm4b:s6+s3], $0x80, v6, vm0, $0xb8;
	[tilespmem:$0x11000] =	vst v63  }
0x1d4: {  	s10 =	simm.s32 $0x10000  }
0x1d5: {  	[tilespmem:s10], [sflag:$0x4] =	stream.indirect_vreg.gather [hbm4b:s2+s3], $0x80, v5, vm0, $0xb8;
	[tilespmem:$0x11000] =	vst v63  }
0x1d6: {  	s11 =	simm.s32 $0x10800  }
0x1d7: {  	[tilespmem:s11], [sflag:$0x4] =	stream.indirect_vreg.gather [hbm4b:s6+s3], $0x80, v5, vm0, $0xb8;
	[tilespmem:$0x11000] =	vst v63  }
0x1d8: {  	_ =	swait.ge [sflag:s29], $0x4000  }
0x1d9: {  	[sflag:s29] =	ssyncset.done $0x0  }
0x1da: {  	s9 =	rddreg [dreg:$0xc];
	[sflag:s29] =	ssyncadd.s32 $0xFFFFC000  }
0x1db: {  	[hbm4b:s9+s3] =	stream.linear.scatter [tilespmem:s8], [sflag:$0x7], $0x4000, $0x38;
	[tilespmem:$0x11000] =	vst v63  }
0x1dc: {  	_ =	swait.ge [sflag:s31], $0x4000  }
0x1dd: {  	[sflag:s31] =	ssyncset.done $0x0  }
0x1de: {  	s10 =	rddreg [dreg:$0xd];
	[sflag:s31] =	ssyncadd.s32 $0xFFFFC000  }
0x1df: {  	[hbm4b:s10+s3] =	stream.linear.scatter [tilespmem:s16], [sflag:$0x8], $0x4000, $0x38;
	[tilespmem:$0x11000] =	vst v63  }
0x1e0: {  	_ =	swait.ge [sflag:s30], $0x4000  }
0x1e1: {  	[sflag:s30] =	ssyncset.done $0x0  }
0x1e2: {  	[sflag:s30] =	ssyncadd.s32 $0xFFFFC000  }
0x1e3: {  	_ =	swait.ge [sflag:s0], $0x4000  }
0x1e4: {  	[sflag:s0] =	ssyncset.done $0x0  }
0x1e5: {  	[sflag:s0] =	ssyncadd.s32 $0xFFFFC000  }
0x1e6: {  	_ =	swait.ge [sflag:s1], $0x4000  }
0x1e7: {  	[sflag:s1] =	ssyncset.done $0x0  }
0x1e8: {  	[sflag:s1] =	ssyncadd.s32 $0xFFFFC000  }
0x1e9: {  	_ =	swait.ge [sflag:s17], $0x4000  }
0x1ea: {  	s9 =	rddreg [dreg:$0xf]  }
0x1eb: {  	s11 =	rddreg [dreg:$0xe];
	s9 =	sadd.s32 $0x1, s9  }
0x1ec: {  	p0 =	sne.s32 s9, s11  }
.Ltmp2:
0x1ed: {  	_ = 	snop;
	(pc) =	sbr.rel @p0 .LBB2_1-.Ltmp2, $3  }
0x1ee: {  	_ =	sdelay $0x1  }
0x1ef: {  	[sflag:s17] =	ssyncset.done $0x0  }
0x1f0: {  	[sflag:s17] =	ssyncadd.s32 $0xFFFFC000  }
0x1f1: {  	_ =	sfence.sel $0x180000  }
0x1f2: {  	[bflag:$0x0] =	sbarrier.arrive $0xFFFF  }
0x1f3: {  	_ =	strace $0x90000047  }
0x1f4: {  	s0 =	stileid.u32;
	[bflag:$0x2] =	sbarrier.arrive $0xFFFF  }
0x1f5: {  	p0 =	sne.s32 s0, $0x0;
	s0 =	rddreg [dreg:$0x2]  }
0x1f6: {  	s0 =	sadd.s32 @!p0 $0x100000, s0  }
0x1f7: {  	[sflag:s0] =	ssyncadd.tile.s32 @!p0 $0x1;
	_ =	shalt  }
.Lfunc_end2:
_tile_overlayer_lowered:
.L_overlay_start_2:
0x1f8: {  	(tag) =	ssettag $0x2  }
0x1f9: {  	s0 =	rddreg [dreg:$0x0];
	s2 =	stileid.u32  }
0x1fa: {  	s1 =	rddreg [dreg:$0x1];
	p0 =	sne.s32 s2, $0x0  }
0x1fb: {  	s3 =	rddreg [dreg:$0x2];
	[bflag:$0x3] =	sbarrier.arrive $0xFFFF;
	s2 =	simm.s32 @!p0 $0x1C09  }
0x1fc: {  	[timem:s3], [sflag:s2] =	dma.local @!p0 [hbm:s0], s1  }
0x1fd: {  	s0 =	simm.s32 @!p0 $0x9  }
0x1fe: {  	_ =	swait.ge @!p0 [sflag:s0], s1  }
0x1ff: {  	s1 =	ssub.s32 @!p0 $0x0, s1;
	[sflag:s0] =	ssyncset.done @!p0 $0x0  }
0x200: {  	[sflag:s0] =	ssyncadd.s32 @!p0 s1  }
0x201: {  	[bflag:$0x3] =	sbarrier.arrive $0xFFFF  }
0x202: {  	_ =	shalt  }

</sc_bundles>
